<compile_context>
chip_gen: v7x
topology: tpu7x:2x2x1
jax: 0.10.2.dev20260603
libtpu: 0.0.44.dev20260713+nightly
codegen_flags: <defaults>
</compile_context>

<pallas_src>
import functools
import jax
import jax.numpy as jnp
from jax.experimental import pallas as pl
from jax.experimental.pallas import tpu as pltpu
from jax.experimental.pallas import tpu_sc as plsc

N = 16384
H = 256
HH = 128
N_MOL = 16
BN = 4096
NB = N // BN
NW = 32
PW = N // NW
CH = 256


def _silu(v):
    u = 0.5 * v
    return u * jnp.tanh(u) + u


def _sc_gather(z, emb):
    mesh = plsc.VectorSubcoreMesh(core_axis_name="c", subcore_axis_name="s")

    @functools.partial(
        pl.kernel,
        out_type=jax.ShapeDtypeStruct((N, H), jnp.float32),
        mesh=mesh,
        scratch_types=[
            pltpu.VMEM((CH,), jnp.int32),
            pltpu.VMEM((CH, H), jnp.float32),
            pltpu.SemaphoreType.DMA,
        ],
    )
    def gather_k(z_hbm, emb_hbm, out_hbm, idx_v, rows_v, sem):
        wid = jax.lax.axis_index("c") * 16 + jax.lax.axis_index("s")
        base = wid * PW
        for j in range(PW // CH):
            off = base + j * CH
            pltpu.sync_copy(z_hbm.at[pl.ds(off, CH)], idx_v)
            pltpu.async_copy(emb_hbm.at[idx_v], rows_v, sem).wait()
            pltpu.sync_copy(rows_v, out_hbm.at[pl.ds(off, CH)])

    return gather_k(z, emb)


def _fused_body(g_ref, pos_ref, batch_ref, Wpos_ref, W1_ref, b1_ref,
                W2_ref, b2_ref, Wo1_ref, bo1_ref, Wo2_ref, bo2_ref,
                mean_ref, std_ref, out_ref, acc_ref, cnt_ref):
    i = pl.program_id(0)
    seg = batch_ref[0, 0, :]

    A = jnp.pad(pos_ref[...], ((0, 0), (104, 21)))
    B = jnp.pad(Wpos_ref[...], ((104, 21), (0, 0)))
    h = g_ref[...] + jnp.dot(A, B, preferred_element_type=jnp.float32)

    h = _silu(jnp.dot(h, W1_ref[...],
                      preferred_element_type=jnp.float32) + b1_ref[...])
    h = h + _silu(jnp.dot(h, W2_ref[...],
                          preferred_element_type=jnp.float32) + b2_ref[...])
    t = _silu(jnp.dot(h, Wo1_ref[...],
                      preferred_element_type=jnp.float32) + bo1_ref[...])

    ohb = (seg[:, None] == jax.lax.broadcasted_iota(jnp.int32, (1, N_MOL), 1)
           ).astype(jnp.float32)
    tseg = jax.lax.dot_general(t, ohb, (((0,), (0,)), ((), ())),
                               preferred_element_type=jnp.float32)
    cpart = jnp.sum(ohb, axis=0, keepdims=True)

    @pl.when(i == 0)
    def _():
        acc_ref[...] = jnp.zeros_like(acc_ref)
        cnt_ref[...] = jnp.zeros_like(cnt_ref)

    acc_ref[...] += tseg
    cnt_ref[...] += cpart

    @pl.when(i == NB - 1)
    def _():
        std = std_ref[...]
        per_atom_const = bo2_ref[...] * std + mean_ref[...]
        out_ref[...] = (jnp.sum(acc_ref[...] * Wo2_ref[...], axis=0,
                                keepdims=True) * std
                        + per_atom_const * cnt_ref[...])


def kernel(z, pos, batch, emb, Wpos, W1, b1, W2, b2, Wo1, bo1, Wo2, bo2,
           mean, std):
    g = _sc_gather(z.astype(jnp.int32), emb)
    batch3 = batch.astype(jnp.int32).reshape(NB, 1, BN)

    out = pl.pallas_call(
        _fused_body,
        grid=(NB,),
        in_specs=[
            pl.BlockSpec((BN, H), lambda i: (i, 0)),
            pl.BlockSpec((BN, 3), lambda i: (i, 0)),
            pl.BlockSpec((1, 1, BN), lambda i: (i, 0, 0)),
            pl.BlockSpec((3, H), lambda i: (0, 0)),
            pl.BlockSpec((H, H), lambda i: (0, 0)),
            pl.BlockSpec((1, H), lambda i: (0, 0)),
            pl.BlockSpec((H, H), lambda i: (0, 0)),
            pl.BlockSpec((1, H), lambda i: (0, 0)),
            pl.BlockSpec((H, HH), lambda i: (0, 0)),
            pl.BlockSpec((1, HH), lambda i: (0, 0)),
            pl.BlockSpec((HH, 1), lambda i: (0, 0)),
            pl.BlockSpec((1, 1), lambda i: (0, 0)),
            pl.BlockSpec((1, 1), lambda i: (0, 0)),
            pl.BlockSpec((1, 1), lambda i: (0, 0)),
        ],
        out_specs=pl.BlockSpec((1, N_MOL), lambda i: (0, 0)),
        out_shape=jax.ShapeDtypeStruct((1, N_MOL), jnp.float32),
        scratch_shapes=[pltpu.VMEM((HH, N_MOL), jnp.float32),
                        pltpu.VMEM((1, N_MOL), jnp.float32)],
    )(g, pos, batch3, Wpos, W1, b1.reshape(1, H), W2,
      b2.reshape(1, H), Wo1, bo1.reshape(1, HH), Wo2, bo2.reshape(1, 1),
      mean.reshape(1, 1), std.reshape(1, 1))
    return out.reshape(N_MOL, 1)

# --- scband reference (transcript-rebuilt; emitter-appended) ---
"""Pipeline reference for scband-torch-md-net-68977174774122 (READ-ONLY COPY).

The authoritative reference and input builder live on the scoring server;
editing this copy changes nothing except your own understanding.
"""

import jax, jax.numpy as jnp
import numpy as np

N = 16384
H = 256
HH = 128
N_MOL = 16
N_TYPES = 100


def setup_inputs(seed: int = 0) -> dict:
    key = jax.random.key(seed)
    ks = jax.random.split(key, 14)
    z = jax.random.randint(ks[0], (N,), 0, N_TYPES)
    pos = jax.random.normal(ks[1], (N, 3), dtype=jnp.float32)
    batch = jnp.sort(jax.random.randint(ks[2], (N,), 0, N_MOL))
    emb = jax.random.normal(ks[3], (N_TYPES, H), dtype=jnp.float32) * 0.02
    Wpos = jax.random.normal(ks[4], (3, H), dtype=jnp.float32) * 0.02
    W1 = jax.random.normal(ks[5], (H, H), dtype=jnp.float32) * 0.02
    b1 = jnp.zeros((H,), dtype=jnp.float32)
    W2 = jax.random.normal(ks[6], (H, H), dtype=jnp.float32) * 0.02
    b2 = jnp.zeros((H,), dtype=jnp.float32)
    Wo1 = jax.random.normal(ks[7], (H, HH), dtype=jnp.float32) * 0.02
    bo1 = jnp.zeros((HH,), dtype=jnp.float32)
    Wo2 = jax.random.normal(ks[8], (HH, 1), dtype=jnp.float32) * 0.02
    bo2 = jnp.zeros((1,), dtype=jnp.float32)
    mean = jnp.asarray(0.0, dtype=jnp.float32)
    std = jnp.asarray(1.0, dtype=jnp.float32)
    return {"z": z, "pos": pos, "batch": batch, "emb": emb, "Wpos": Wpos,
            "W1": W1, "b1": b1, "W2": W2, "b2": b2,
            "Wo1": Wo1, "bo1": bo1, "Wo2": Wo2, "bo2": bo2,
            "mean": mean, "std": std}


def reference(z, pos, batch, emb, Wpos, W1, b1, W2, b2, Wo1, bo1, Wo2, bo2, mean, std):
    # representation_model: atom-type embedding lookup + position projection + residual MLP
    h = jnp.take(emb, z, axis=0) + pos @ Wpos
    h = jax.nn.silu(h @ W1 + b1)
    h = h + jax.nn.silu(h @ W2 + b2)
    # output_model.pre_reduce: per-atom energy head -> [N, 1]
    x = jax.nn.silu(h @ Wo1 + bo1) @ Wo2 + bo2
    # atom_level mean/std standardization
    x = x * std
    x = x + mean
    # scatter(x, batch, dim=0, reduce='add') -> per-molecule energy
    out = jax.ops.segment_sum(x, batch, num_segments=N_MOL)
    return out

if __name__ == "__main__":
    import jax
    _d = setup_inputs()
    print(jax.jit(kernel)(*tuple(_d.values())))

</pallas_src>

<mosaic_0001>
#map = affine_map<(d0, d1) -> (0)>
#map1 = affine_map<(d0, d1) -> (0, 0)>
module attributes {stable_mosaic.version = 14 : i64} {
  func.func @gather_k(%arg0: i32, %arg1: i32, %arg2: memref<16384xi32, #tpu.memory_space<hbm>>, %arg3: memref<100x256xf32, #tpu.memory_space<hbm>>, %arg4: memref<16384x256xf32, #tpu.memory_space<hbm>>, %arg5: memref<256xi32, #tpu.memory_space<vmem>>, %arg6: memref<256x256xf32, #tpu.memory_space<vmem>>, %arg7: memref<!tpu.dma_semaphore, #tpu.memory_space<semaphore_mem>>) attributes {dimension_semantics = [#tpu.dimension_semantics<core_parallel>, #tpu.dimension_semantics<subcore_parallel>], iteration_bounds = array<i64: 2, 16>, scalar_prefetch = 0 : i64, scratch_operands = 3 : i64, tpu.core_type = #tpu.core_type<sc_vector_subcore>, window_params = [{transform_indices = #map}, {transform_indices = #map1}, {transform_indices = #map1}]} {
    %mul3A = arith.constant 16 : i32
    %mul3A_0 = arith.muli %arg0, %mul3A : i32
    %add3A = arith.addi %mul3A_0, %arg1 : i32
    %mul3A_1 = arith.constant 512 : i32
    %mul3A_2 = arith.muli %add3A, %mul3A_1 : i32
    %add3A_3 = arith.constant 0 : i32
    %add3A_4 = arith.addi %mul3A_2, %add3A_3 : i32
    "tpu.region"() ({
      %run_scoped3A = tpu.sem_alloc : memref<!tpu.dma_semaphore, #tpu.memory_space<semaphore_mem>>
      %dma_start3A_17 = tpu.memref_slice %arg2[%add3A_4] : memref<16384xi32, #tpu.memory_space<hbm>> -> memref<256xi32, #tpu.memory_space<hbm>>
      %dma_start3A_18 = tpu.memref_slice %arg2[%add3A_4] : memref<16384xi32, #tpu.memory_space<hbm>> -> memref<256xi32, #tpu.memory_space<hbm>>
      tpu.enqueue_dma source(%dma_start3A_18 : memref<256xi32, #tpu.memory_space<hbm>>) target(%arg5 : memref<256xi32, #tpu.memory_space<vmem>>) target_semaphore(%run_scoped3A : memref<!tpu.dma_semaphore, #tpu.memory_space<semaphore_mem>>)
      %dma_wait3A_19 = tpu.memref_slice %arg2[%add3A_4] : memref<16384xi32, #tpu.memory_space<hbm>> -> memref<256xi32, #tpu.memory_space<hbm>>
      %dma_wait3A_20 = tpu.memref_slice %arg2[%add3A_4] : memref<16384xi32, #tpu.memory_space<hbm>> -> memref<256xi32, #tpu.memory_space<hbm>>
      tpu.wait_dma2 semaphore(%run_scoped3A : memref<!tpu.dma_semaphore, #tpu.memory_space<semaphore_mem>>) src(%dma_wait3A_20 : memref<256xi32, #tpu.memory_space<hbm>>) dst(%arg5 : memref<256xi32, #tpu.memory_space<vmem>>)
      tpu.yield
    }) : () -> ()
    %dma_start3A = arith.constant 0 : i32
    %dma_start3A_5 = arith.constant 0 : i32
    %dma_start3A_6 = tpu.memref_slice %arg3[%dma_start3A, %dma_start3A_5] : memref<100x256xf32, #tpu.memory_space<hbm>> -> memref<100x256xf32, #tpu.memory_space<hbm>>
    tpu.enqueue_indirect_dma source(%dma_start3A_6 : memref<100x256xf32, #tpu.memory_space<hbm>>) target(%arg6 : memref<256x256xf32, #tpu.memory_space<vmem>>) offsets(%arg5 : memref<256xi32, #tpu.memory_space<vmem>>) semaphore(%arg7 : memref<!tpu.dma_semaphore, #tpu.memory_space<semaphore_mem>>)
    %dma_wait3A = arith.constant 0 : i32
    %dma_wait3A_7 = arith.constant 0 : i32
    %dma_wait3A_8 = tpu.memref_slice %arg3[%dma_wait3A, %dma_wait3A_7] : memref<100x256xf32, #tpu.memory_space<hbm>> -> memref<100x256xf32, #tpu.memory_space<hbm>>
    tpu.wait_indirect_dma semaphore(%arg7 : memref<!tpu.dma_semaphore, #tpu.memory_space<semaphore_mem>>) src(%dma_wait3A_8 : memref<100x256xf32, #tpu.memory_space<hbm>>) dst(%arg6 : memref<256x256xf32, #tpu.memory_space<vmem>>)
    "tpu.region"() ({
      %run_scoped3A = tpu.sem_alloc : memref<!tpu.dma_semaphore, #tpu.memory_space<semaphore_mem>>
      %dma_start3A_17 = arith.constant 0 : i32
      %dma_start3A_18 = tpu.memref_slice %arg4[%add3A_4, %dma_start3A_17] : memref<16384x256xf32, #tpu.memory_space<hbm>> -> memref<256x256xf32, #tpu.memory_space<hbm>>
      %dma_start3A_19 = arith.constant 0 : i32
      %dma_start3A_20 = tpu.memref_slice %arg4[%add3A_4, %dma_start3A_19] : memref<16384x256xf32, #tpu.memory_space<hbm>> -> memref<256x256xf32, #tpu.memory_space<hbm>>
      tpu.enqueue_dma source(%arg6 : memref<256x256xf32, #tpu.memory_space<vmem>>) target(%dma_start3A_20 : memref<256x256xf32, #tpu.memory_space<hbm>>) target_semaphore(%run_scoped3A : memref<!tpu.dma_semaphore, #tpu.memory_space<semaphore_mem>>)
      %dma_wait3A_21 = arith.constant 0 : i32
      %dma_wait3A_22 = tpu.memref_slice %arg4[%add3A_4, %dma_wait3A_21] : memref<16384x256xf32, #tpu.memory_space<hbm>> -> memref<256x256xf32, #tpu.memory_space<hbm>>
      %dma_wait3A_23 = arith.constant 0 : i32
      %dma_wait3A_24 = tpu.memref_slice %arg4[%add3A_4, %dma_wait3A_23] : memref<16384x256xf32, #tpu.memory_space<hbm>> -> memref<256x256xf32, #tpu.memory_space<hbm>>
      tpu.wait_dma2 semaphore(%run_scoped3A : memref<!tpu.dma_semaphore, #tpu.memory_space<semaphore_mem>>) src(%arg6 : memref<256x256xf32, #tpu.memory_space<vmem>>) dst(%dma_wait3A_24 : memref<256x256xf32, #tpu.memory_space<hbm>>)
      tpu.yield
    }) : () -> ()
    %add3A_9 = arith.constant 256 : i32
    %add3A_10 = arith.addi %mul3A_2, %add3A_9 : i32
    "tpu.region"() ({
      %run_scoped3A = tpu.sem_alloc : memref<!tpu.dma_semaphore, #tpu.memory_space<semaphore_mem>>
      %dma_start3A_17 = tpu.memref_slice %arg2[%add3A_10] : memref<16384xi32, #tpu.memory_space<hbm>> -> memref<256xi32, #tpu.memory_space<hbm>>
      %dma_start3A_18 = tpu.memref_slice %arg2[%add3A_10] : memref<16384xi32, #tpu.memory_space<hbm>> -> memref<256xi32, #tpu.memory_space<hbm>>
      tpu.enqueue_dma source(%dma_start3A_18 : memref<256xi32, #tpu.memory_space<hbm>>) target(%arg5 : memref<256xi32, #tpu.memory_space<vmem>>) target_semaphore(%run_scoped3A : memref<!tpu.dma_semaphore, #tpu.memory_space<semaphore_mem>>)
      %dma_wait3A_19 = tpu.memref_slice %arg2[%add3A_10] : memref<16384xi32, #tpu.memory_space<hbm>> -> memref<256xi32, #tpu.memory_space<hbm>>
      %dma_wait3A_20 = tpu.memref_slice %arg2[%add3A_10] : memref<16384xi32, #tpu.memory_space<hbm>> -> memref<256xi32, #tpu.memory_space<hbm>>
      tpu.wait_dma2 semaphore(%run_scoped3A : memref<!tpu.dma_semaphore, #tpu.memory_space<semaphore_mem>>) src(%dma_wait3A_20 : memref<256xi32, #tpu.memory_space<hbm>>) dst(%arg5 : memref<256xi32, #tpu.memory_space<vmem>>)
      tpu.yield
    }) : () -> ()
    %dma_start3A_11 = arith.constant 0 : i32
    %dma_start3A_12 = arith.constant 0 : i32
    %dma_start3A_13 = tpu.memref_slice %arg3[%dma_start3A_11, %dma_start3A_12] : memref<100x256xf32, #tpu.memory_space<hbm>> -> memref<100x256xf32, #tpu.memory_space<hbm>>
    tpu.enqueue_indirect_dma source(%dma_start3A_13 : memref<100x256xf32, #tpu.memory_space<hbm>>) target(%arg6 : memref<256x256xf32, #tpu.memory_space<vmem>>) offsets(%arg5 : memref<256xi32, #tpu.memory_space<vmem>>) semaphore(%arg7 : memref<!tpu.dma_semaphore, #tpu.memory_space<semaphore_mem>>)
    %dma_wait3A_14 = arith.constant 0 : i32
    %dma_wait3A_15 = arith.constant 0 : i32
    %dma_wait3A_16 = tpu.memref_slice %arg3[%dma_wait3A_14, %dma_wait3A_15] : memref<100x256xf32, #tpu.memory_space<hbm>> -> memref<100x256xf32, #tpu.memory_space<hbm>>
    tpu.wait_indirect_dma semaphore(%arg7 : memref<!tpu.dma_semaphore, #tpu.memory_space<semaphore_mem>>) src(%dma_wait3A_16 : memref<100x256xf32, #tpu.memory_space<hbm>>) dst(%arg6 : memref<256x256xf32, #tpu.memory_space<vmem>>)
    "tpu.region"() ({
      %run_scoped3A = tpu.sem_alloc : memref<!tpu.dma_semaphore, #tpu.memory_space<semaphore_mem>>
      %dma_start3A_17 = arith.constant 0 : i32
      %dma_start3A_18 = tpu.memref_slice %arg4[%add3A_10, %dma_start3A_17] : memref<16384x256xf32, #tpu.memory_space<hbm>> -> memref<256x256xf32, #tpu.memory_space<hbm>>
      %dma_start3A_19 = arith.constant 0 : i32
      %dma_start3A_20 = tpu.memref_slice %arg4[%add3A_10, %dma_start3A_19] : memref<16384x256xf32, #tpu.memory_space<hbm>> -> memref<256x256xf32, #tpu.memory_space<hbm>>
      tpu.enqueue_dma source(%arg6 : memref<256x256xf32, #tpu.memory_space<vmem>>) target(%dma_start3A_20 : memref<256x256xf32, #tpu.memory_space<hbm>>) target_semaphore(%run_scoped3A : memref<!tpu.dma_semaphore, #tpu.memory_space<semaphore_mem>>)
      %dma_wait3A_21 = arith.constant 0 : i32
      %dma_wait3A_22 = tpu.memref_slice %arg4[%add3A_10, %dma_wait3A_21] : memref<16384x256xf32, #tpu.memory_space<hbm>> -> memref<256x256xf32, #tpu.memory_space<hbm>>
      %dma_wait3A_23 = arith.constant 0 : i32
      %dma_wait3A_24 = tpu.memref_slice %arg4[%add3A_10, %dma_wait3A_23] : memref<16384x256xf32, #tpu.memory_space<hbm>> -> memref<256x256xf32, #tpu.memory_space<hbm>>
      tpu.wait_dma2 semaphore(%run_scoped3A : memref<!tpu.dma_semaphore, #tpu.memory_space<semaphore_mem>>) src(%arg6 : memref<256x256xf32, #tpu.memory_space<vmem>>) dst(%dma_wait3A_24 : memref<256x256xf32, #tpu.memory_space<hbm>>)
      tpu.yield
    }) : () -> ()
    return
  }
}

module attributes {stable_mosaic.version = 14 : i64} {
  func.func @_fused_body(%arg0: i32, %arg1: memref<4096x256xf32, #tpu.memory_space<vmem>>, %arg2: memref<4096x3xf32, #tpu.memory_space<vmem>>, %arg3: memref<1x1x4096xi32, #tpu.memory_space<vmem>>, %arg4: memref<3x256xf32, #tpu.memory_space<vmem>>, %arg5: memref<256x256xf32, #tpu.memory_space<vmem>>, %arg6: memref<1x256xf32, #tpu.memory_space<vmem>>, %arg7: memref<256x256xf32, #tpu.memory_space<vmem>>, %arg8: memref<1x256xf32, #tpu.memory_space<vmem>>, %arg9: memref<256x128xf32, #tpu.memory_space<vmem>>, %arg10: memref<1x128xf32, #tpu.memory_space<vmem>>, %arg11: memref<128x1xf32, #tpu.memory_space<vmem>>, %arg12: memref<1x1xf32, #tpu.memory_space<vmem>>, %arg13: memref<1x1xf32, #tpu.memory_space<vmem>>, %arg14: memref<1x1xf32, #tpu.memory_space<vmem>>, %arg15: memref<1x16xf32, #tpu.memory_space<vmem>>, %arg16: memref<128x16xf32, #tpu.memory_space<vmem>>, %arg17: memref<1x16xf32, #tpu.memory_space<vmem>>) attributes {dimension_semantics = [#tpu.dimension_semantics<arbitrary>], iteration_bounds = array<i64: 4>, scalar_prefetch = 0 : i64, scratch_operands = 2 : i64, tpu.core_type = #tpu.core_type<tc>, window_params = [{transform_indices = @transform_0, window_bounds = array<i64: 4096, 256>}, {transform_indices = @transform_1, window_bounds = array<i64: 4096, 3>}, {transform_indices = @transform_2, window_bounds = array<i64: 1, 1, 4096>}, {pipeline_mode = #tpu.pipeline_mode<synchronous>, transform_indices = @transform_3, window_bounds = array<i64: 3, 256>}, {pipeline_mode = #tpu.pipeline_mode<synchronous>, transform_indices = @transform_4, window_bounds = array<i64: 256, 256>}, {pipeline_mode = #tpu.pipeline_mode<synchronous>, transform_indices = @transform_5, window_bounds = array<i64: 1, 256>}, {pipeline_mode = #tpu.pipeline_mode<synchronous>, transform_indices = @transform_6, window_bounds = array<i64: 256, 256>}, {pipeline_mode = #tpu.pipeline_mode<synchronous>, transform_indices = @transform_7, window_bounds = array<i64: 1, 256>}, {pipeline_mode = #tpu.pipeline_mode<synchronous>, transform_indices = @transform_8, window_bounds = array<i64: 256, 128>}, {pipeline_mode = #tpu.pipeline_mode<synchronous>, transform_indices = @transform_9, window_bounds = array<i64: 1, 128>}, {pipeline_mode = #tpu.pipeline_mode<synchronous>, transform_indices = @transform_10, window_bounds = array<i64: 128, 1>}, {pipeline_mode = #tpu.pipeline_mode<synchronous>, transform_indices = @transform_11, window_bounds = array<i64: 1, 1>}, {pipeline_mode = #tpu.pipeline_mode<synchronous>, transform_indices = @transform_12, window_bounds = array<i64: 1, 1>}, {pipeline_mode = #tpu.pipeline_mode<synchronous>, transform_indices = @transform_13, window_bounds = array<i64: 1, 1>}, {pipeline_mode = #tpu.pipeline_mode<synchronous>, transform_indices = @transform_14, window_bounds = array<i64: 1, 16>}]} {
    %get3A = arith.constant 0 : index
    %get3A_0 = arith.constant 0 : index
    %get3A_1 = arith.constant 0 : index
    %get3A_2 = vector.load %arg3[%get3A, %get3A_0, %get3A_1] : memref<1x1x4096xi32, #tpu.memory_space<vmem>>, vector<1x1x4096xi32>
    %get3A_3 = vector.shape_cast %get3A_2 : vector<1x1x4096xi32> to vector<4096xi32>
    %get3A_4 = arith.constant 0 : index
    %get3A_5 = arith.constant 0 : index
    %get3A_6 = vector.load %arg2[%get3A_4, %get3A_5] : memref<4096x3xf32, #tpu.memory_space<vmem>>, vector<4096x3xf32>
    %jit3A = arith.constant 0 : i32
    %convert_element_type3A = arith.sitofp %jit3A : i32 to f32
    %pad3A = vector.broadcast %convert_element_type3A : f32 to vector<4096x104xf32>
    %pad3A_7 = tpu.concatenate %pad3A, %get3A_6 in 1 : vector<4096x104xf32>, vector<4096x3xf32> -> vector<4096x107xf32>
    %pad3A_8 = vector.broadcast %convert_element_type3A : f32 to vector<4096x21xf32>
    %pad3A_9 = tpu.concatenate %pad3A_7, %pad3A_8 in 1 : vector<4096x107xf32>, vector<4096x21xf32> -> vector<4096x128xf32>
    %get3A_10 = arith.constant 0 : index
    %get3A_11 = arith.constant 0 : index
    %get3A_12 = vector.load %arg4[%get3A_10, %get3A_11] : memref<3x256xf32, #tpu.memory_space<vmem>>, vector<3x256xf32>
    %jit3A_13 = arith.constant 0 : i32
    %convert_element_type3A_14 = arith.sitofp %jit3A_13 : i32 to f32
    %pad3A_15 = vector.broadcast %convert_element_type3A_14 : f32 to vector<104x256xf32>
    %pad3A_16 = tpu.concatenate %pad3A_15, %get3A_12 in 0 : vector<104x256xf32>, vector<3x256xf32> -> vector<107x256xf32>
    %pad3A_17 = vector.broadcast %convert_element_type3A_14 : f32 to vector<21x256xf32>
    %pad3A_18 = tpu.concatenate %pad3A_16, %pad3A_17 in 0 : vector<107x256xf32>, vector<21x256xf32> -> vector<128x256xf32>
    %get3A_19 = arith.constant 0 : index
    %get3A_20 = arith.constant 0 : index
    %get3A_21 = vector.load %arg1[%get3A_19, %get3A_20] : memref<4096x256xf32, #tpu.memory_space<vmem>>, vector<4096x256xf32>
    %dot_general3A = arith.constant dense<0.000000e+00> : vector<4096x256xf32>
    %dot_general3A_22 = tpu.matmul %pad3A_9, %pad3A_18, %dot_general3A {dimension_numbers = #tpu.dot_dimension_numbers<[1], [0], [0], [1], [0, 0, 1, 1], [], []>, transpose_lhs_hint = false} : vector<4096x128xf32>, vector<128x256xf32>, vector<4096x256xf32> -> vector<4096x256xf32>
    %add3A = arith.addf %get3A_21, %dot_general3A_22 : vector<4096x256xf32>
    %get3A_23 = arith.constant 0 : index
    %get3A_24 = arith.constant 0 : index
    %get3A_25 = vector.load %arg5[%get3A_23, %get3A_24] : memref<256x256xf32, #tpu.memory_space<vmem>>, vector<256x256xf32>
    %dot_general3A_26 = arith.constant dense<0.000000e+00> : vector<4096x256xf32>
    %dot_general3A_27 = tpu.matmul %add3A, %get3A_25, %dot_general3A_26 {dimension_numbers = #tpu.dot_dimension_numbers<[1], [0], [0], [1], [0, 0, 1, 1], [], []>, transpose_lhs_hint = false} : vector<4096x256xf32>, vector<256x256xf32>, vector<4096x256xf32> -> vector<4096x256xf32>
    %get3A_28 = arith.constant 0 : index
    %get3A_29 = arith.constant 0 : index
    %get3A_30 = vector.load %arg6[%get3A_28, %get3A_29] : memref<1x256xf32, #tpu.memory_space<vmem>>, vector<1x256xf32>
    %add3A_31 = vector.broadcast %get3A_30 : vector<1x256xf32> to vector<4096x256xf32>
    %add3A_32 = arith.addf %dot_general3A_27, %add3A_31 : vector<4096x256xf32>
    %mul3A = arith.constant 5.000000e-01 : f32
    %mul3A_33 = vector.broadcast %mul3A : f32 to vector<4096x256xf32>
    %mul3A_34 = arith.mulf %mul3A_33, %add3A_32 : vector<4096x256xf32>
    %tanh3A = math.tanh %mul3A_34 : vector<4096x256xf32>
    %mul3A_35 = arith.mulf %mul3A_34, %tanh3A : vector<4096x256xf32>
    %add3A_36 = arith.addf %mul3A_35, %mul3A_34 : vector<4096x256xf32>
    %get3A_37 = arith.constant 0 : index
    %get3A_38 = arith.constant 0 : index
    %get3A_39 = vector.load %arg7[%get3A_37, %get3A_38] : memref<256x256xf32, #tpu.memory_space<vmem>>, vector<256x256xf32>
    %dot_general3A_40 = arith.constant dense<0.000000e+00> : vector<4096x256xf32>
    %dot_general3A_41 = tpu.matmul %add3A_36, %get3A_39, %dot_general3A_40 {dimension_numbers = #tpu.dot_dimension_numbers<[1], [0], [0], [1], [0, 0, 1, 1], [], []>, transpose_lhs_hint = false} : vector<4096x256xf32>, vector<256x256xf32>, vector<4096x256xf32> -> vector<4096x256xf32>
    %get3A_42 = arith.constant 0 : index
    %get3A_43 = arith.constant 0 : index
    %get3A_44 = vector.load %arg8[%get3A_42, %get3A_43] : memref<1x256xf32, #tpu.memory_space<vmem>>, vector<1x256xf32>
    %add3A_45 = vector.broadcast %get3A_44 : vector<1x256xf32> to vector<4096x256xf32>
    %add3A_46 = arith.addf %dot_general3A_41, %add3A_45 : vector<4096x256xf32>
    %mul3A_47 = arith.constant 5.000000e-01 : f32
    %mul3A_48 = vector.broadcast %mul3A_47 : f32 to vector<4096x256xf32>
    %mul3A_49 = arith.mulf %mul3A_48, %add3A_46 : vector<4096x256xf32>
    %tanh3A_50 = math.tanh %mul3A_49 : vector<4096x256xf32>
    %mul3A_51 = arith.mulf %mul3A_49, %tanh3A_50 : vector<4096x256xf32>
    %add3A_52 = arith.addf %mul3A_51, %mul3A_49 : vector<4096x256xf32>
    %add3A_53 = arith.addf %add3A_36, %add3A_52 : vector<4096x256xf32>
    %get3A_54 = arith.constant 0 : index
    %get3A_55 = arith.constant 0 : index
    %get3A_56 = vector.load %arg9[%get3A_54, %get3A_55] : memref<256x128xf32, #tpu.memory_space<vmem>>, vector<256x128xf32>
    %dot_general3A_57 = arith.constant dense<0.000000e+00> : vector<4096x128xf32>
    %dot_general3A_58 = tpu.matmul %add3A_53, %get3A_56, %dot_general3A_57 {dimension_numbers = #tpu.dot_dimension_numbers<[1], [0], [0], [1], [0, 0, 1, 1], [], []>, transpose_lhs_hint = false} : vector<4096x256xf32>, vector<256x128xf32>, vector<4096x128xf32> -> vector<4096x128xf32>
    %get3A_59 = arith.constant 0 : index
    %get3A_60 = arith.constant 0 : index
    %get3A_61 = vector.load %arg10[%get3A_59, %get3A_60] : memref<1x128xf32, #tpu.memory_space<vmem>>, vector<1x128xf32>
    %add3A_62 = vector.broadcast %get3A_61 : vector<1x128xf32> to vector<4096x128xf32>
    %add3A_63 = arith.addf %dot_general3A_58, %add3A_62 : vector<4096x128xf32>
    %mul3A_64 = arith.constant 5.000000e-01 : f32
    %mul3A_65 = vector.broadcast %mul3A_64 : f32 to vector<4096x128xf32>
    %mul3A_66 = arith.mulf %mul3A_65, %add3A_63 : vector<4096x128xf32>
    %tanh3A_67 = math.tanh %mul3A_66 : vector<4096x128xf32>
    %mul3A_68 = arith.mulf %mul3A_66, %tanh3A_67 : vector<4096x128xf32>
    %add3A_69 = arith.addf %mul3A_68, %mul3A_66 : vector<4096x128xf32>
    %broadcast_in_dim3A = vector.shape_cast %get3A_3 : vector<4096xi32> to vector<4096x1xi32>
    %iota3A = tpu.iota {dimensions = array<i32: 1>} : vector<1x16xi32>
    %eq3A = vector.broadcast %broadcast_in_dim3A : vector<4096x1xi32> to vector<4096x16xi32>
    %eq3A_70 = vector.broadcast %iota3A : vector<1x16xi32> to vector<4096x16xi32>
    %eq3A_71 = arith.cmpi eq, %eq3A, %eq3A_70 : vector<4096x16xi32>
    %convert_element_type3A_72 = arith.extui %eq3A_71 : vector<4096x16xi1> to vector<4096x16xi32>
    %convert_element_type3A_73 = arith.sitofp %convert_element_type3A_72 : vector<4096x16xi32> to vector<4096x16xf32>
    %dot_general3A_74 = arith.constant dense<0.000000e+00> : vector<128x16xf32>
    %dot_general3A_75 = tpu.matmul %add3A_69, %convert_element_type3A_73, %dot_general3A_74 {dimension_numbers = #tpu.dot_dimension_numbers<[0], [0], [1], [1], [0, 1, 1, 1], [], []>, transpose_lhs_hint = false} : vector<4096x128xf32>, vector<4096x16xf32>, vector<128x16xf32> -> vector<128x16xf32>
    %reduce_sum3A = arith.constant dense<0.000000e+00> : vector<16xf32>
    %reduce_sum3A_76 = vector.multi_reduction <add>, %convert_element_type3A_73, %reduce_sum3A [0] : vector<4096x16xf32> to vector<16xf32>
    %broadcast_in_dim3A_77 = vector.shape_cast %reduce_sum3A_76 : vector<16xf32> to vector<1x16xf32>
    %eq3A_78 = arith.constant 0 : i32
    %eq3A_79 = arith.cmpi eq, %arg0, %eq3A_78 : i32
    %convert_element_type3A_80 = arith.extui %eq3A_79 : i1 to i32
    %cond3A = arith.constant 0 : i32
    %cond3A_81 = arith.cmpi ne, %convert_element_type3A_80, %cond3A : i32
    scf.if %cond3A_81 {
      %broadcast_in_dim3A_100 = arith.constant 0.000000e+00 : f32
      %broadcast_in_dim3A_101 = vector.broadcast %broadcast_in_dim3A_100 : f32 to vector<128x16xf32>
      %swap3A_102 = arith.constant 0 : index
      %swap3A_103 = arith.constant 0 : index
      %swap3A_104 = vector.load %arg16[%swap3A_102, %swap3A_103] : memref<128x16xf32, #tpu.memory_space<vmem>>, vector<128x16xf32>
      tpu.vector_store %arg16[%swap3A_102, %swap3A_103], %broadcast_in_dim3A_101 {strides = array<i32>} : memref<128x16xf32, #tpu.memory_space<vmem>>, vector<128x16xf32>,
      %broadcast_in_dim3A_105 = arith.constant 0.000000e+00 : f32
      %broadcast_in_dim3A_106 = vector.broadcast %broadcast_in_dim3A_105 : f32 to vector<1x16xf32>
      %swap3A_107 = arith.constant 0 : index
      %swap3A_108 = arith.constant 0 : index
      %swap3A_109 = vector.load %arg17[%swap3A_107, %swap3A_108] : memref<1x16xf32, #tpu.memory_space<vmem>>, vector<1x16xf32>
      tpu.vector_store %arg17[%swap3A_107, %swap3A_108], %broadcast_in_dim3A_106 {strides = array<i32>} : memref<1x16xf32, #tpu.memory_space<vmem>>, vector<1x16xf32>,
    } else {
    }
    %get3A_82 = arith.constant 0 : index
    %get3A_83 = arith.constant 0 : index
    %get3A_84 = vector.load %arg16[%get3A_82, %get3A_83] : memref<128x16xf32, #tpu.memory_space<vmem>>, vector<128x16xf32>
    %add3A_85 = arith.addf %get3A_84, %dot_general3A_75 : vector<128x16xf32>
    %swap3A = arith.constant 0 : index
    %swap3A_86 = arith.constant 0 : index
    %swap3A_87 = vector.load %arg16[%swap3A, %swap3A_86] : memref<128x16xf32, #tpu.memory_space<vmem>>, vector<128x16xf32>
    tpu.vector_store %arg16[%swap3A, %swap3A_86], %add3A_85 {strides = array<i32>} : memref<128x16xf32, #tpu.memory_space<vmem>>, vector<128x16xf32>,
    %get3A_88 = arith.constant 0 : index
    %get3A_89 = arith.constant 0 : index
    %get3A_90 = vector.load %arg17[%get3A_88, %get3A_89] : memref<1x16xf32, #tpu.memory_space<vmem>>, vector<1x16xf32>
    %add3A_91 = arith.addf %get3A_90, %broadcast_in_dim3A_77 : vector<1x16xf32>
    %swap3A_92 = arith.constant 0 : index
    %swap3A_93 = arith.constant 0 : index
    %swap3A_94 = vector.load %arg17[%swap3A_92, %swap3A_93] : memref<1x16xf32, #tpu.memory_space<vmem>>, vector<1x16xf32>
    tpu.vector_store %arg17[%swap3A_92, %swap3A_93], %add3A_91 {strides = array<i32>} : memref<1x16xf32, #tpu.memory_space<vmem>>, vector<1x16xf32>,
    %eq3A_95 = arith.constant 3 : i32
    %eq3A_96 = arith.cmpi eq, %arg0, %eq3A_95 : i32
    %convert_element_type3A_97 = arith.extui %eq3A_96 : i1 to i32
    %cond3A_98 = arith.constant 0 : i32
    %cond3A_99 = arith.cmpi ne, %convert_element_type3A_97, %cond3A_98 : i32
    scf.if %cond3A_99 {
      %get3A_100 = arith.constant 0 : index
      %get3A_101 = arith.constant 0 : index
      %get3A_102 = vector.load %arg14[%get3A_100, %get3A_101] : memref<1x1xf32, #tpu.memory_space<vmem>>, vector<1x1xf32>
      %get3A_103 = arith.constant 0 : index
      %get3A_104 = arith.constant 0 : index
      %get3A_105 = vector.load %arg12[%get3A_103, %get3A_104] : memref<1x1xf32, #tpu.memory_space<vmem>>, vector<1x1xf32>
      %mul3A_106 = arith.mulf %get3A_105, %get3A_102 : vector<1x1xf32>
      %get3A_107 = arith.constant 0 : index
      %get3A_108 = arith.constant 0 : index
      %get3A_109 = vector.load %arg13[%get3A_107, %get3A_108] : memref<1x1xf32, #tpu.memory_space<vmem>>, vector<1x1xf32>
      %add3A_110 = arith.addf %mul3A_106, %get3A_109 : vector<1x1xf32>
      %get3A_111 = arith.constant 0 : index
      %get3A_112 = arith.constant 0 : index
      %get3A_113 = vector.load %arg16[%get3A_111, %get3A_112] : memref<128x16xf32, #tpu.memory_space<vmem>>, vector<128x16xf32>
      %get3A_114 = arith.constant 0 : index
      %get3A_115 = arith.constant 0 : index
      %get3A_116 = vector.load %arg11[%get3A_114, %get3A_115] : memref<128x1xf32, #tpu.memory_space<vmem>>, vector<128x1xf32>
      %mul3A_117 = vector.broadcast %get3A_116 : vector<128x1xf32> to vector<128x16xf32>
      %mul3A_118 = arith.mulf %get3A_113, %mul3A_117 : vector<128x16xf32>
      %reduce_sum3A_119 = arith.constant dense<0.000000e+00> : vector<16xf32>
      %reduce_sum3A_120 = vector.multi_reduction <add>, %mul3A_118, %reduce_sum3A_119 [0] : vector<128x16xf32> to vector<16xf32>
      %broadcast_in_dim3A_121 = vector.shape_cast %reduce_sum3A_120 : vector<16xf32> to vector<1x16xf32>
      %mul3A_122 = vector.broadcast %get3A_102 : vector<1x1xf32> to vector<1x16xf32>
      %mul3A_123 = arith.mulf %broadcast_in_dim3A_121, %mul3A_122 : vector<1x16xf32>
      %get3A_124 = arith.constant 0 : index
      %get3A_125 = arith.constant 0 : index
      %get3A_126 = vector.load %arg17[%get3A_124, %get3A_125] : memref<1x16xf32, #tpu.memory_space<vmem>>, vector<1x16xf32>
      %mul3A_127 = vector.broadcast %add3A_110 : vector<1x1xf32> to vector<1x16xf32>
      %mul3A_128 = arith.mulf %mul3A_127, %get3A_126 : vector<1x16xf32>
      %add3A_129 = arith.addf %mul3A_123, %mul3A_128 : vector<1x16xf32>
      %swap3A_130 = arith.constant 0 : index
      %swap3A_131 = arith.constant 0 : index
      %swap3A_132 = vector.load %arg15[%swap3A_130, %swap3A_131] : memref<1x16xf32, #tpu.memory_space<vmem>>, vector<1x16xf32>
      tpu.vector_store %arg15[%swap3A_130, %swap3A_131], %add3A_129 {strides = array<i32>} : memref<1x16xf32, #tpu.memory_space<vmem>>, vector<1x16xf32>,
    } else {
    }
    return
  }
  func.func @transform_0(%arg0: i32) -> (i32, i32) {
    %c0_i32 = arith.constant 0 : i32
    %c0_i32_0 = arith.constant 0 : i32
    return %arg0, %c0_i32 : i32, i32
  }
  func.func @transform_1(%arg0: i32) -> (i32, i32) {
    %c0_i32 = arith.constant 0 : i32
    %c0_i32_0 = arith.constant 0 : i32
    return %arg0, %c0_i32 : i32, i32
  }
  func.func @transform_2(%arg0: i32) -> (i32, i32, i32) {
    %c0_i32 = arith.constant 0 : i32
    %c0_i32_0 = arith.constant 0 : i32
    %c0_i32_1 = arith.constant 0 : i32
    return %arg0, %c0_i32, %c0_i32_0 : i32, i32, i32
  }
  func.func @transform_3(%arg0: i32) -> (i32, i32) {
    %c0_i32 = arith.constant 0 : i32
    %c0_i32_0 = arith.constant 0 : i32
    %c0_i32_1 = arith.constant 0 : i32
    return %c0_i32, %c0_i32_0 : i32, i32
  }
  func.func @transform_4(%arg0: i32) -> (i32, i32) {
    %c0_i32 = arith.constant 0 : i32
    %c0_i32_0 = arith.constant 0 : i32
    %c0_i32_1 = arith.constant 0 : i32
    return %c0_i32, %c0_i32_0 : i32, i32
  }
  func.func @transform_5(%arg0: i32) -> (i32, i32) {
    %c0_i32 = arith.constant 0 : i32
    %c0_i32_0 = arith.constant 0 : i32
    %c0_i32_1 = arith.constant 0 : i32
    return %c0_i32, %c0_i32_0 : i32, i32
  }
  func.func @transform_6(%arg0: i32) -> (i32, i32) {
    %c0_i32 = arith.constant 0 : i32
    %c0_i32_0 = arith.constant 0 : i32
    %c0_i32_1 = arith.constant 0 : i32
    return %c0_i32, %c0_i32_0 : i32, i32
  }
  func.func @transform_7(%arg0: i32) -> (i32, i32) {
    %c0_i32 = arith.constant 0 : i32
    %c0_i32_0 = arith.constant 0 : i32
    %c0_i32_1 = arith.constant 0 : i32
    return %c0_i32, %c0_i32_0 : i32, i32
  }
  func.func @transform_8(%arg0: i32) -> (i32, i32) {
    %c0_i32 = arith.constant 0 : i32
    %c0_i32_0 = arith.constant 0 : i32
    %c0_i32_1 = arith.constant 0 : i32
    return %c0_i32, %c0_i32_0 : i32, i32
  }
  func.func @transform_9(%arg0: i32) -> (i32, i32) {
    %c0_i32 = arith.constant 0 : i32
    %c0_i32_0 = arith.constant 0 : i32
    %c0_i32_1 = arith.constant 0 : i32
    return %c0_i32, %c0_i32_0 : i32, i32
  }
  func.func @transform_10(%arg0: i32) -> (i32, i32) {
    %c0_i32 = arith.constant 0 : i32
    %c0_i32_0 = arith.constant 0 : i32
    %c0_i32_1 = arith.constant 0 : i32
    return %c0_i32, %c0_i32_0 : i32, i32
  }
  func.func @transform_11(%arg0: i32) -> (i32, i32) {
    %c0_i32 = arith.constant 0 : i32
    %c0_i32_0 = arith.constant 0 : i32
    %c0_i32_1 = arith.constant 0 : i32
    return %c0_i32, %c0_i32_0 : i32, i32
  }
  func.func @transform_12(%arg0: i32) -> (i32, i32) {
    %c0_i32 = arith.constant 0 : i32
    %c0_i32_0 = arith.constant 0 : i32
    %c0_i32_1 = arith.constant 0 : i32
    return %c0_i32, %c0_i32_0 : i32, i32
  }
  func.func @transform_13(%arg0: i32) -> (i32, i32) {
    %c0_i32 = arith.constant 0 : i32
    %c0_i32_0 = arith.constant 0 : i32
    %c0_i32_1 = arith.constant 0 : i32
    return %c0_i32, %c0_i32_0 : i32, i32
  }
  func.func @transform_14(%arg0: i32) -> (i32, i32) {
    %c0_i32 = arith.constant 0 : i32
    %c0_i32_0 = arith.constant 0 : i32
    %c0_i32_1 = arith.constant 0 : i32
    return %c0_i32, %c0_i32_0 : i32, i32
  }
}

</mosaic_0001>

<sc_bundles>
// kernel: kernel.4.cloned.1.call-start
scs
__scs_entry_jumppad:
0x0: {  	(pc) =	sbr.rel $0x88, $3  }
0x1: {  	(tag) =	ssettag $0x0;
	lr =	simm.s32 $0x1  }
0x2: {  	[smem:$0x3F92] =	sst lr;
	_ =	strace $0xD0000000  }
0x3: {  	_ = 	snop  }
0x4: {  	_ = 	snop  }
0x5: {  	_ = 	snop  }
0x6: {  	_ = 	snop  }
0x7: {  	_ = 	snop  }
__scs_overlays_trampoline_lowered:
0x8: {  	[smem:$0x3FA1] =	sst s0  }
0x9: {  	[smem:$0x3FA2] =	sst s1  }
0xa: {  	[smem:$0x3FA3] =	sst s2  }
0xb: {  	[smem:$0x3FA4] =	sst s3  }
0xc: {  	[smem:$0x3FA5] =	sst s4  }
0xd: {  	[smem:$0x3FA6] =	sst s5  }
0xe: {  	[smem:$0x3FA7] =	sst s6  }
0xf: {  	[smem:$0x3FA8] =	sst s7  }
0x10: {  	[smem:$0x3FA9] =	sst s8  }
0x11: {  	[smem:$0x3FAA] =	sst s9;
	s0 =	simm.s32 @!p0 $0x0  }
0x12: {  	s1 =	sld [smem:$0x3F90];
	s0 =	simm.s32 @p0 $0x1  }
0x13: {  	[smem:$0x3FAB] =	sst s0;
	s0 =	simm.s32 @!p1 $0x0  }
0x14: {  	s2 =	sld [smem:$0x3F8F];
	s0 =	simm.s32 @p1 $0x1  }
0x15: {  	[smem:$0x3FAC] =	sst s0;
	s0 =	simm.s32 @!p2 $0x0  }
0x16: {  	s3 =	sld [smem:$0x3FDB];
	s0 =	simm.s32 @p2 $0x1  }
0x17: {  	s4 =	simm.s32 $0x1BF5;
	[smem:$0x3FAE] =	sst s0  }
0x18: {  	s0 =	sld [smem:$0x3F91];
	_ =	swait.ge [sflag:s4], $0x0  }
0x19: {  	s7 =	sld [smem:$0x3F92]  }
0x1a: {  	s8 =	sadd.s32 $0xFFFFE003, lr  }
0x1b: {  	s9 =	sadd.s32 $0xFFFFFEF7, lr;
	s5 =	simm.s32 $0xFFFFFFFF;
	p2 =	slt.u32 s8, $0xFFFFF086  }
0x1c: {  	p1 =	slt.u32 s9, $0xF7A;
	s5 =	simm.s32 @!p2 $0x0  }
0x1d: {  	s5 =	simm.s32 @p1 $0x1;
	p0 =	seq.s32 s7, s2  }
0x1e: {  	s7 =	smul.u32 @!p0 $0xF7A, s2;
	p2 =	seq.s32 @!p0 s5, $0x0  }
0x1f: {  	s9 =	smul.u32 $0xF7A, s1;
	s8 =	simm.s32 @!p0 $0x1BF5;
	p2 =	por !p2, p0  }
0x20: {  	[sflag:s8] =	ssyncset.s32 @!p0 $0xFFFFF086;
	s6 =	sadd.s32 @!p0 s3, s7;
	s7 =	simm.s32 @!p0 $0x108  }
0x21: {  	s3 =	sadd.s32 s3, s9;
	s6 =	sadd.s32 @!p0 $0x88, s6;
	s7 =	simm.s32 @p2 $0x1082  }
0x22: {  	[simem:s7], [sflag:s8] =	dma.local @!p0 [hbm:s6], $0xF7A  }
0x23: {  	s9 =	sor.u32 $0xD0000000, s2;
	s6 =	simm.s32 $0x108;
	_ =	swait.ge @!p0 [sflag:s8], $0x0  }
0x24: {  	s3 =	sadd.s32 $0x88, s3;
	s6 =	simm.s32 @!p1 $0x1082;
	[sflag:s4] =	ssyncset.s32 $0xFFFFF086  }
0x25: {  	[simem:s6], [sflag:s4] =	dma.local [hbm:s3], $0xF7A  }
0x26: {  	[smem:$0x3F92] =	sst s1;
	(tag) =	ssettag s2;
	_ =	strace s9  }
0x27: {  	s1 =	sld [smem:$0x3FA2]  }
0x28: {  	s2 =	sld [smem:$0x3FA3]  }
0x29: {  	s4 =	sld [smem:$0x3FA5]  }
0x2a: {  	p0 =	seq.s32 s5, $0x0;
	s5 =	sld [smem:$0x3FA6]  }
0x2b: {  	s6 =	sld [smem:$0x3FA7]  }
0x2c: {  	s7 =	sld [smem:$0x3FA8]  }
0x2d: {  	s3 =	simm.s32 $0x108;
	s8 =	sld [smem:$0x3FA9]  }
0x2e: {  	s3 =	simm.s32 @!p0 $0x1082;
	s9 =	sld [smem:$0x3FAA]  }
0x2f: {  	lr =	sadd.s32 s0, s3;
	s0 =	sld [smem:$0x3FA1]  }
0x30: {  	s3 =	sld [smem:$0x3FA4]  }
0x31: {  	[smem:$0x3FAD] =	sst s10  }
0x32: {  	s10 =	sld [smem:$0x3FAB];
	_ =	sdelay $0x3  }
0x33: {  	p0 =	seq.s32 s10, $0x1;
	s10 =	sld [smem:$0x3FAD];
	_ =	sdelay $0x3  }
0x34: {  	[smem:$0x3FAD] =	sst s10  }
0x35: {  	s10 =	sld [smem:$0x3FAC];
	_ =	sdelay $0x3  }
0x36: {  	p1 =	seq.s32 s10, $0x1;
	s10 =	sld [smem:$0x3FAD];
	_ =	sdelay $0x3  }
0x37: {  	[smem:$0x3FAD] =	sst s10  }
0x38: {  	s10 =	sld [smem:$0x3FAE]  }
0x39: {  	_ = 	snop;
	(pc) =	sbr.ind lr, $3  }
0x3a: {  	_ = 	snop  }
0x3b: {  	_ = 	snop  }
0x3c: {  	p2 =	seq.s32 s10, $0x1;
	s10 =	sld [smem:$0x3FAD]  }
0x3d: {  	_ =	shalt  }
0x3e: {  	_ =	shalt  }
0x3f: {  	_ =	shalt  }
0x40: {  	_ =	shalt  }
0x41: {  	_ =	shalt  }
0x42: {  	_ =	shalt  }
0x43: {  	_ =	shalt  }
0x44: {  	_ =	shalt  }
0x45: {  	_ =	shalt  }
0x46: {  	_ =	shalt  }
0x47: {  	_ =	shalt  }
0x48: {  	_ =	shalt  }
0x49: {  	_ =	shalt  }
0x4a: {  	_ =	shalt  }
0x4b: {  	_ =	shalt  }
0x4c: {  	_ =	shalt  }
0x4d: {  	_ =	shalt  }
0x4e: {  	_ =	shalt  }
0x4f: {  	_ =	shalt  }
0x50: {  	_ =	shalt  }
0x51: {  	_ =	shalt  }
0x52: {  	_ =	shalt  }
0x53: {  	_ =	shalt  }
0x54: {  	_ =	shalt  }
0x55: {  	_ =	shalt  }
0x56: {  	_ =	shalt  }
0x57: {  	_ =	shalt  }
0x58: {  	_ =	shalt  }
0x59: {  	_ =	shalt  }
0x5a: {  	_ =	shalt  }
0x5b: {  	_ =	shalt  }
0x5c: {  	_ =	shalt  }
0x5d: {  	_ =	shalt  }
0x5e: {  	_ =	shalt  }
0x5f: {  	_ =	shalt  }
0x60: {  	_ =	shalt  }
0x61: {  	_ =	shalt  }
0x62: {  	_ =	shalt  }
0x63: {  	_ =	shalt  }
0x64: {  	_ =	shalt  }
0x65: {  	_ =	shalt  }
0x66: {  	_ =	shalt  }
0x67: {  	_ =	shalt  }
0x68: {  	_ =	shalt  }
0x69: {  	_ =	shalt  }
0x6a: {  	_ =	shalt  }
0x6b: {  	_ =	shalt  }
0x6c: {  	_ =	shalt  }
0x6d: {  	_ =	shalt  }
0x6e: {  	_ =	shalt  }
0x6f: {  	_ =	shalt  }
0x70: {  	_ =	shalt  }
0x71: {  	_ =	shalt  }
0x72: {  	_ =	shalt  }
0x73: {  	_ =	shalt  }
0x74: {  	_ =	shalt  }
0x75: {  	_ =	shalt  }
0x76: {  	_ =	shalt  }
0x77: {  	_ =	shalt  }
0x78: {  	_ =	shalt  }
0x79: {  	_ =	shalt  }
0x7a: {  	_ =	shalt  }
0x7b: {  	_ =	shalt  }
0x7c: {  	_ =	shalt  }
0x7d: {  	_ =	shalt  }
0x7e: {  	_ =	shalt  }
0x7f: {  	_ =	shalt  }
0x80: {  	_ =	shalt  }
0x81: {  	_ =	shalt  }
0x82: {  	_ =	shalt  }
0x83: {  	_ =	shalt  }
0x84: {  	_ =	shalt  }
0x85: {  	_ =	shalt  }
0x86: {  	_ =	shalt  }
0x87: {  	_ =	shalt  }
.Lfunc_end0:
.L_simem_size_0:
called_computation_lowered:
.L_overlay_start_0:
0x88: {  	s2 =	sld [smem:$0x3FD9]  }
0x89: {  	s3 =	sld [smem:$0x3FFE];
	_ =	sdelay $0x1  }
0x8a: {  	s1 =	srdreg.scid  }
0x8b: {  	s0 =	sand.u32 $0x1, s1  }
0x8c: {  	s17 =	sshll.u32 s0, $0xA;
	s2 =	sadd.s32 s3, s2  }
0x8d: {  	s2 =	sadd.s32 s2, s17  }
0x8e: {  	[smem:$0x3FB9] =	sst s2  }
0x8f: {  	_ = 	snop  }
0x90: {  	s2 =	sld [smem:$0x3FC9]  }
0x91: {  	s18 =	sld [smem:$0x3FC6];
	(tm) =	ssettm $0x1  }
0x92: {  	s4 =	sld [smem:$0x3FFB];
	_ =	sdelay $0x3  }
0x93: {  	_ =	strace s4  }
0x94: {  	s4 =	sld [smem:$0x3FFC];
	_ =	sdelay $0x3  }
0x95: {  	_ =	strace s4  }
0x96: {  	s4 =	sld [smem:$0x3FFD];
	_ =	sdelay $0x3  }
0x97: {  	_ =	strace s4  }
0x98: {  	_ =	strace $0x8FFFFFFF  }
0x99: {  	s19 =	sld [smem:$0x3FDB];
	_ =	sdelay $0x1  }
0x9a: {  	s5 =	simm.s32 $_scs_section_size  }
0x9b: {  	s6 =	simm.s32 $_size__tile_overlayer_lowered;
	s7 =	simm.s32 $_tile_overlayer_lowered  }
0x9c: {  	s22 =	simm.s32 $0x1BFF;
	s21 =	sshll.u32 s7, $0x1;
	s4 =	sadd.s32 s5, s19  }
0x9d: {  	s8 =	simm.s32 $0x0;
	s20 =	sshll.u32 s6, $0x1;
	s6 =	sadd.s32 s21, s4  }
0x9e: {  	[timem:s8], [sflag:s22] =	dma.local [hbm:s6], s20  }
0x9f: {  	_ =	swait.ge [sflag:s22], s20  }
0xa0: {  	s5 =	ssub.s32 $0x0, s20;
	[sflag:s22] =	ssyncset.done $0x0  }
0xa1: {  	[sflag:s22] =	ssyncadd.s32 s5;
	_ =	sdelay $0x1  }
0xa2: {  	s23 =	simm.s32 $0x1B8B  }
0xa3: {  	_ =	swait.ge [sflag:s23], $0x1  }
0xa4: {  	[sflag:s23] =	ssyncset.done $0x0  }
0xa5: {  	s25 =	simm.s32 $0x1B8E;
	s24 =	sld [smem:$0x3FFE];
	[sflag:s23] =	ssyncadd.s32 $0xFFFFFFFF  }
0xa6: {  	s26 =	simm.s32 $execute0_lowered;
	[smem:$0x3FD2] =	sst s25  }
0xa7: {  	s6 =	sshll.u32 s26, $0x1;
	_ =	strace $0x80000046;
	[dreg:$0x1] =	wrdreg $0xFFFFFFFF  }
0xa8: {  	s28 =	simm.s32 $_size_execute0_lowered;
	s4 =	sadd.s32 s4, s6;
	[dreg:$0x0] =	wrdreg $0x0  }
0xa9: {  	s6 =	sshll.u32 s28, $0x1;
	[dreg:$0x2] =	wrdreg s4  }
0xaa: {  	[dreg:$0x3] =	wrdreg s6  }
0xab: {  	[dreg:$0x4] =	wrdreg $0xC0  }
0xac: {  	_ =	task [dreg:s8], $0x5FFFF  }
0xad: {  	[dreg:$0x1] =	wrdreg $0xFFFFFFFF  }
0xae: {  	[dreg:$0x0] =	wrdreg $0x60  }
0xaf: {  	[dreg:$0x2] =	wrdreg s2  }
0xb0: {  	[dreg:$0x3] =	wrdreg s18  }
0xb1: {  	[dreg:$0x4] =	wrdreg s24  }
0xb2: {  	[dreg:$0x5] =	wrdreg $0x9  }
0xb3: {  	_ =	task.clear_ibuf [dreg:s8], $0x6FFFF;
	_ =	strace $0x90000046  }
0xb4: {  	s29 =	simm.s32 $0x9;
	_ =	strace $0x80000048  }
0xb5: {  	_ =	swait.ge [sflag:s29], $0x1  }
0xb6: {  	[sflag:s29] =	ssyncadd.s32 $0xFFFFFFFF  }
0xb7: {  	_ =	strace $0x90000048  }
0xb8: {  	_ =	sfence  }
0xb9: {  	s30 =	sld [smem:$0x0];
	_ =	sdelay $0x2  }
0xba: {  	s31 =	sshll.u32 s1, $0xD;
	s1 =	sshrl.u32 s1, $0x2  }
0xbb: {  	s3 =	sand.u32 $0x4000, s31;
	s1 =	sadd.s32 s1, s30  }
0xbc: {  	s0 =	sor.u32 s3, s0;
	s1 =	sshll.u32 s1, $0x11  }
0xbd: {  	s0 =	sor.u32 s1, s0  }
0xbe: {  	s0 =	sadd.s32 $0x8F2B, s0  }
0xbf: {  	[sflag:s0] =	ssyncadd.remote.s32 $0x1  }
0xc0: {  	_ =	sfence.sel $0xFFFF  }
0xc1: {  	[dreg:$0x0] =	wrdreg $0xFFFFFFFF;
	(pc) =	sbr.abs _section_cstart, $3  }
0xc2: {  	[dreg:$0x1] =	wrdreg $0xFFFFFFFF  }
0xc3: {  	_ =	task.clear_ibuf [dreg:s8], $0x2FFFF;
	_ =	strace $0x9FFFFFFF  }
0xc4: {  	(tm) =	ssettm $0x7FFFFFFF  }
0xc5: {  	_ =	shalt  }
tec
execute0_lowered:
.L_overlay_start_1:
0x0: {  	(tag) =	ssettag $0x1  }
0x1: {  	s0 =	rddreg [dreg:$0x0]  }
0x2: {  	s1 =	rddreg [dreg:$0x1]  }
0x3: {  	s2 =	rddreg [dreg:$0x2];
	s4 =	srdreg.scid;
	s3 =	simm.s32 $0x0  }
0x4: {  	s6 =	stileid.u32;
	s12 =	simm.s32 $0x1;
	s14 =	simm.s32 $0x900  }
0x5: {  	s15 =	simm.s32 $0x1100;
	s16 =	simm.s32 $0x1900;
	s17 =	simm.s32 $0x2100  }
0x6: {  	s18 =	simm.s32 $0x2900;
	s19 =	simm.s32 $0x3100;
	s20 =	simm.s32 $0x3900  }
0x7: {  	s21 =	simm.s32 $0x4100;
	s22 =	simm.s32 $0x4900;
	s28 =	simm.s32 $0x7100  }
0x8: {  	s29 =	simm.s32 $0x7900;
	s30 =	simm.s32 $0x8100;
	s31 =	simm.s32 $0x8900  }
0x9: {  	s9 =	simm.s32 $0xB100;
	s10 =	simm.s32 $0xB900;
	s11 =	simm.s32 $0xC100  }
0xa: {  	s4 =	sand.u32 $0x1, s4;
	[smem:$0x7FF] =	sst s3;
	s6 =	sshll.u32 s6, $0x9  }
0xb: {  	s2 =	sadd.s32 $0x1800, s2;
	s5 =	sshll.u32 s4, $0xD;
	s4 =	ssub.s32 $0x2, s4  }
0xc: {  	_ =	strace $0x80000047;
	s5 =	sor.u32 s6, s5;
	s23 =	sshrl.u32 s4, $0x1  }
0xd: {  	s6 =	simm.s32 $0xC900;
	s7 =	sshrl.u32 s5, $0x3;
	s8 =	sshll.u32 s5, $0x5  }
0xe: {  	s5 =	sor.u32 $0x100, s5;
	s4 =	ssub.s32 s4, s23;
	s23 =	simm.s32 $0x5100  }
0xf: {  	s7 =	sadd.s32 s0, s7;
	s24 =	sadd.s32 s2, s8;
	s25 =	sshrl.u32 s5, $0x3  }
0x10: {  	s5 =	sshll.u32 s5, $0x5;
	s4 =	smax.u32 s4, $0x1;
	[dreg:$0x4] =	wrdreg s7  }
0x11: {  	s8 =	simm.s32 $0xA900;
	[dreg:$0x5] =	wrdreg s24;
	s0 =	sadd.s32 s0, s25  }
0x12: {  	v2 =	vlaneseq.u32;
	s26 =	sadd.s32 s2, s5;
	s5 =	simm.s32 $0x2;
	s24 =	simm.s32 $0x5900  }
0x13: {  	vm0 =	vmmov $0xffff;
	v1 =	vshrl.u32 v2, $0x3;
	s25 =	simm.s32 $0x6100;
	s2 =	simm.s32 $0x9900;
	[dreg:$0x6] =	wrdreg s0  }
0x14: {  	v0 =	vand.u32 $0x7, v2;
	v2 =	vor.u32 $0x8, v2;
	v1 =	vmul.u32 $0x8, v1;
	s7 =	simm.s32 $0xA100;
	[dreg:$0x7] =	wrdreg s26;
	s26 =	simm.s32 $0x6900  }
.LBB2_1:
0x15: {  	s13 =	rddreg [dreg:$0x4]  }
0x16: {  	[tilespmem:s3], [sflag:$0x2] =	stream.linear.gather [hbm4b:s13+s3], $0x100, $0x38;
	[tilespmem:$0x10100] =	vst v63  }
0x17: {  	_ =	swait.ge [sflag:s5], $0x100  }
0x18: {  	[sflag:s5] =	ssyncset.done $0x0  }
0x19: {  	[sflag:s5] =	ssyncadd.s32 $0xFFFFFF00  }
0x1a: {  	v3 =	vld [tilespmem:$0x0];
	_ =	sdelay $0x4  }
0x1b: {  	v4 =	vshll.u32 v3, $0x1  }
0x1c: {  	v3 =	vand.u32 $0x7, v3;
	v4 =	vand.u32 $0xFFFFFFF0, v4  }
0x1d: {  	v3 =	vor.u32 v3, v4  }
0x1e: {  	v4 =	vperm.xlane v3, v0;
	_ =	sdelay $0x1  }
0x1f: {  	v3 =	vperm.xlane v3, v2;
	v4 =	vadd.s32 v1, v4;
	_ =	sdelay $0x1  }
0x20: {  	v3 =	vadd.s32 v1, v3;
	_ =	sdelay $0x1  }
0x21: {  	s0 =	simm.s32 $0x100  }
0x22: {  	[tilespmem:s0], [sflag:$0x1] =	stream.indirect_vreg.gather [hbm4b:s1+s3], $0x80, v4, vm0, $0xb8;
	[tilespmem:$0x10100] =	vst v63  }
0x23: {  	_ = 	snop  }
0x24: {  	[tilespmem:s14], [sflag:$0x1] =	stream.indirect_vreg.gather [hbm4b:s1+s3], $0x80, v3, vm0, $0xb8;
	[tilespmem:$0x10100] =	vst v63  }
0x25: {  	v3 =	vld [tilespmem:$0x10];
	_ =	sdelay $0x4  }
0x26: {  	v33 =	vshll.u32 v3, $0x1  }
0x27: {  	v3 =	vand.u32 $0x7, v3;
	v4 =	vand.u32 $0xFFFFFFF0, v33  }
0x28: {  	v3 =	vor.u32 v3, v4  }
0x29: {  	v4 =	vperm.xlane v3, v0;
	_ =	sdelay $0x1  }
0x2a: {  	v3 =	vperm.xlane v3, v2;
	v4 =	vadd.s32 v1, v4;
	_ =	sdelay $0x1  }
0x2b: {  	v3 =	vadd.s32 v1, v3;
	_ =	sdelay $0x2  }
0x2c: {  	[tilespmem:s15], [sflag:$0x1] =	stream.indirect_vreg.gather [hbm4b:s1+s3], $0x80, v4, vm0, $0xb8;
	[tilespmem:$0x10100] =	vst v63  }
0x2d: {  	_ = 	snop  }
0x2e: {  	[tilespmem:s16], [sflag:$0x1] =	stream.indirect_vreg.gather [hbm4b:s1+s3], $0x80, v3, vm0, $0xb8;
	[tilespmem:$0x10100] =	vst v63  }
0x2f: {  	v3 =	vld [tilespmem:$0x20];
	_ =	sdelay $0x4  }
0x30: {  	v34 =	vshll.u32 v3, $0x1  }
0x31: {  	v3 =	vand.u32 $0x7, v3;
	v4 =	vand.u32 $0xFFFFFFF0, v34  }
0x32: {  	v3 =	vor.u32 v3, v4  }
0x33: {  	v4 =	vperm.xlane v3, v0;
	_ =	sdelay $0x1  }
0x34: {  	v3 =	vperm.xlane v3, v2;
	v4 =	vadd.s32 v1, v4;
	_ =	sdelay $0x1  }
0x35: {  	v3 =	vadd.s32 v1, v3;
	_ =	sdelay $0x2  }
0x36: {  	[tilespmem:s17], [sflag:$0x1] =	stream.indirect_vreg.gather [hbm4b:s1+s3], $0x80, v4, vm0, $0xb8;
	[tilespmem:$0x10100] =	vst v63  }
0x37: {  	_ = 	snop  }
0x38: {  	[tilespmem:s18], [sflag:$0x1] =	stream.indirect_vreg.gather [hbm4b:s1+s3], $0x80, v3, vm0, $0xb8;
	[tilespmem:$0x10100] =	vst v63  }
0x39: {  	v3 =	vld [tilespmem:$0x30];
	_ =	sdelay $0x4  }
0x3a: {  	v35 =	vshll.u32 v3, $0x1  }
0x3b: {  	v3 =	vand.u32 $0x7, v3;
	v4 =	vand.u32 $0xFFFFFFF0, v35  }
0x3c: {  	v3 =	vor.u32 v3, v4  }
0x3d: {  	v4 =	vperm.xlane v3, v0;
	_ =	sdelay $0x1  }
0x3e: {  	v3 =	vperm.xlane v3, v2;
	v4 =	vadd.s32 v1, v4;
	_ =	sdelay $0x1  }
0x3f: {  	v3 =	vadd.s32 v1, v3;
	_ =	sdelay $0x2  }
0x40: {  	[tilespmem:s19], [sflag:$0x1] =	stream.indirect_vreg.gather [hbm4b:s1+s3], $0x80, v4, vm0, $0xb8;
	[tilespmem:$0x10100] =	vst v63  }
0x41: {  	_ = 	snop  }
0x42: {  	[tilespmem:s20], [sflag:$0x1] =	stream.indirect_vreg.gather [hbm4b:s1+s3], $0x80, v3, vm0, $0xb8;
	[tilespmem:$0x10100] =	vst v63  }
0x43: {  	v3 =	vld [tilespmem:$0x40];
	_ =	sdelay $0x4  }
0x44: {  	v36 =	vshll.u32 v3, $0x1  }
0x45: {  	v3 =	vand.u32 $0x7, v3;
	v4 =	vand.u32 $0xFFFFFFF0, v36  }
0x46: {  	v3 =	vor.u32 v3, v4  }
0x47: {  	v4 =	vperm.xlane v3, v0;
	_ =	sdelay $0x1  }
0x48: {  	v3 =	vperm.xlane v3, v2;
	v4 =	vadd.s32 v1, v4;
	_ =	sdelay $0x1  }
0x49: {  	v3 =	vadd.s32 v1, v3;
	_ =	sdelay $0x2  }
0x4a: {  	[tilespmem:s21], [sflag:$0x1] =	stream.indirect_vreg.gather [hbm4b:s1+s3], $0x80, v4, vm0, $0xb8;
	[tilespmem:$0x10100] =	vst v63  }
0x4b: {  	_ = 	snop  }
0x4c: {  	[tilespmem:s22], [sflag:$0x1] =	stream.indirect_vreg.gather [hbm4b:s1+s3], $0x80, v3, vm0, $0xb8;
	[tilespmem:$0x10100] =	vst v63  }
0x4d: {  	v3 =	vld [tilespmem:$0x50];
	_ =	sdelay $0x4  }
0x4e: {  	v37 =	vshll.u32 v3, $0x1  }
0x4f: {  	v3 =	vand.u32 $0x7, v3;
	v4 =	vand.u32 $0xFFFFFFF0, v37  }
0x50: {  	v3 =	vor.u32 v3, v4  }
0x51: {  	v4 =	vperm.xlane v3, v0;
	_ =	sdelay $0x1  }
0x52: {  	v3 =	vperm.xlane v3, v2;
	v4 =	vadd.s32 v1, v4;
	_ =	sdelay $0x1  }
0x53: {  	v3 =	vadd.s32 v1, v3;
	_ =	sdelay $0x2  }
0x54: {  	[tilespmem:s23], [sflag:$0x1] =	stream.indirect_vreg.gather [hbm4b:s1+s3], $0x80, v4, vm0, $0xb8;
	[tilespmem:$0x10100] =	vst v63  }
0x55: {  	_ = 	snop  }
0x56: {  	[tilespmem:s24], [sflag:$0x1] =	stream.indirect_vreg.gather [hbm4b:s1+s3], $0x80, v3, vm0, $0xb8;
	[tilespmem:$0x10100] =	vst v63  }
0x57: {  	v3 =	vld [tilespmem:$0x60];
	_ =	sdelay $0x4  }
0x58: {  	v38 =	vshll.u32 v3, $0x1  }
0x59: {  	v3 =	vand.u32 $0x7, v3;
	v4 =	vand.u32 $0xFFFFFFF0, v38  }
0x5a: {  	v3 =	vor.u32 v3, v4  }
0x5b: {  	v4 =	vperm.xlane v3, v0;
	_ =	sdelay $0x1  }
0x5c: {  	v3 =	vperm.xlane v3, v2;
	v4 =	vadd.s32 v1, v4;
	_ =	sdelay $0x1  }
0x5d: {  	v3 =	vadd.s32 v1, v3;
	_ =	sdelay $0x2  }
0x5e: {  	[tilespmem:s25], [sflag:$0x1] =	stream.indirect_vreg.gather [hbm4b:s1+s3], $0x80, v4, vm0, $0xb8;
	[tilespmem:$0x10100] =	vst v63  }
0x5f: {  	_ = 	snop  }
0x60: {  	[tilespmem:s26], [sflag:$0x1] =	stream.indirect_vreg.gather [hbm4b:s1+s3], $0x80, v3, vm0, $0xb8;
	[tilespmem:$0x10100] =	vst v63  }
0x61: {  	v3 =	vld [tilespmem:$0x70];
	_ =	sdelay $0x4  }
0x62: {  	v39 =	vshll.u32 v3, $0x1  }
0x63: {  	v3 =	vand.u32 $0x7, v3;
	v4 =	vand.u32 $0xFFFFFFF0, v39  }
0x64: {  	v3 =	vor.u32 v3, v4  }
0x65: {  	v4 =	vperm.xlane v3, v0;
	_ =	sdelay $0x1  }
0x66: {  	v3 =	vperm.xlane v3, v2;
	v4 =	vadd.s32 v1, v4;
	_ =	sdelay $0x1  }
0x67: {  	v3 =	vadd.s32 v1, v3;
	_ =	sdelay $0x2  }
0x68: {  	[tilespmem:s28], [sflag:$0x1] =	stream.indirect_vreg.gather [hbm4b:s1+s3], $0x80, v4, vm0, $0xb8;
	[tilespmem:$0x10100] =	vst v63  }
0x69: {  	_ = 	snop  }
0x6a: {  	[tilespmem:s29], [sflag:$0x1] =	stream.indirect_vreg.gather [hbm4b:s1+s3], $0x80, v3, vm0, $0xb8;
	[tilespmem:$0x10100] =	vst v63  }
0x6b: {  	v3 =	vld [tilespmem:$0x80];
	_ =	sdelay $0x4  }
0x6c: {  	v40 =	vshll.u32 v3, $0x1  }
0x6d: {  	v3 =	vand.u32 $0x7, v3;
	v4 =	vand.u32 $0xFFFFFFF0, v40  }
0x6e: {  	v3 =	vor.u32 v3, v4  }
0x6f: {  	v4 =	vperm.xlane v3, v0;
	_ =	sdelay $0x1  }
0x70: {  	v3 =	vperm.xlane v3, v2;
	v4 =	vadd.s32 v1, v4;
	_ =	sdelay $0x1  }
0x71: {  	v3 =	vadd.s32 v1, v3;
	_ =	sdelay $0x2  }
0x72: {  	[tilespmem:s30], [sflag:$0x1] =	stream.indirect_vreg.gather [hbm4b:s1+s3], $0x80, v4, vm0, $0xb8;
	[tilespmem:$0x10100] =	vst v63  }
0x73: {  	_ = 	snop  }
0x74: {  	[tilespmem:s31], [sflag:$0x1] =	stream.indirect_vreg.gather [hbm4b:s1+s3], $0x80, v3, vm0, $0xb8;
	[tilespmem:$0x10100] =	vst v63  }
0x75: {  	v3 =	vld [tilespmem:$0x90];
	_ =	sdelay $0x4  }
0x76: {  	v41 =	vshll.u32 v3, $0x1  }
0x77: {  	v3 =	vand.u32 $0x7, v3;
	v4 =	vand.u32 $0xFFFFFFF0, v41  }
0x78: {  	v3 =	vor.u32 v3, v4  }
0x79: {  	v4 =	vperm.xlane v3, v0;
	_ =	sdelay $0x1  }
0x7a: {  	v3 =	vperm.xlane v3, v2;
	v4 =	vadd.s32 v1, v4;
	_ =	sdelay $0x1  }
0x7b: {  	v3 =	vadd.s32 v1, v3;
	_ =	sdelay $0x1  }
0x7c: {  	s13 =	simm.s32 $0x9100  }
0x7d: {  	[tilespmem:s13], [sflag:$0x1] =	stream.indirect_vreg.gather [hbm4b:s1+s3], $0x80, v4, vm0, $0xb8;
	[tilespmem:$0x10100] =	vst v63  }
0x7e: {  	_ = 	snop  }
0x7f: {  	[tilespmem:s2], [sflag:$0x1] =	stream.indirect_vreg.gather [hbm4b:s1+s3], $0x80, v3, vm0, $0xb8;
	[tilespmem:$0x10100] =	vst v63  }
0x80: {  	v3 =	vld [tilespmem:$0xA0];
	_ =	sdelay $0x4  }
0x81: {  	v42 =	vshll.u32 v3, $0x1  }
0x82: {  	v3 =	vand.u32 $0x7, v3;
	v4 =	vand.u32 $0xFFFFFFF0, v42  }
0x83: {  	v3 =	vor.u32 v3, v4  }
0x84: {  	v4 =	vperm.xlane v3, v0;
	_ =	sdelay $0x1  }
0x85: {  	v3 =	vperm.xlane v3, v2;
	v4 =	vadd.s32 v1, v4;
	_ =	sdelay $0x1  }
0x86: {  	v3 =	vadd.s32 v1, v3;
	_ =	sdelay $0x2  }
0x87: {  	[tilespmem:s7], [sflag:$0x1] =	stream.indirect_vreg.gather [hbm4b:s1+s3], $0x80, v4, vm0, $0xb8;
	[tilespmem:$0x10100] =	vst v63  }
0x88: {  	_ = 	snop  }
0x89: {  	[tilespmem:s8], [sflag:$0x1] =	stream.indirect_vreg.gather [hbm4b:s1+s3], $0x80, v3, vm0, $0xb8;
	[tilespmem:$0x10100] =	vst v63  }
0x8a: {  	v3 =	vld [tilespmem:$0xB0];
	_ =	sdelay $0x4  }
0x8b: {  	v43 =	vshll.u32 v3, $0x1  }
0x8c: {  	v3 =	vand.u32 $0x7, v3;
	v4 =	vand.u32 $0xFFFFFFF0, v43  }
0x8d: {  	v3 =	vor.u32 v3, v4  }
0x8e: {  	v4 =	vperm.xlane v3, v0;
	_ =	sdelay $0x1  }
0x8f: {  	v3 =	vperm.xlane v3, v2;
	v4 =	vadd.s32 v1, v4;
	_ =	sdelay $0x1  }
0x90: {  	v3 =	vadd.s32 v1, v3;
	_ =	sdelay $0x2  }
0x91: {  	[tilespmem:s9], [sflag:$0x1] =	stream.indirect_vreg.gather [hbm4b:s1+s3], $0x80, v4, vm0, $0xb8;
	[tilespmem:$0x10100] =	vst v63  }
0x92: {  	_ = 	snop  }
0x93: {  	[tilespmem:s10], [sflag:$0x1] =	stream.indirect_vreg.gather [hbm4b:s1+s3], $0x80, v3, vm0, $0xb8;
	[tilespmem:$0x10100] =	vst v63  }
0x94: {  	v3 =	vld [tilespmem:$0xC0];
	_ =	sdelay $0x4  }
0x95: {  	v44 =	vshll.u32 v3, $0x1  }
0x96: {  	v3 =	vand.u32 $0x7, v3;
	v4 =	vand.u32 $0xFFFFFFF0, v44  }
0x97: {  	v3 =	vor.u32 v3, v4  }
0x98: {  	v4 =	vperm.xlane v3, v0;
	_ =	sdelay $0x1  }
0x99: {  	v3 =	vperm.xlane v3, v2;
	v4 =	vadd.s32 v1, v4;
	_ =	sdelay $0x1  }
0x9a: {  	v3 =	vadd.s32 v1, v3;
	_ =	sdelay $0x2  }
0x9b: {  	[tilespmem:s11], [sflag:$0x1] =	stream.indirect_vreg.gather [hbm4b:s1+s3], $0x80, v4, vm0, $0xb8;
	[tilespmem:$0x10100] =	vst v63  }
0x9c: {  	_ = 	snop  }
0x9d: {  	[tilespmem:s6], [sflag:$0x1] =	stream.indirect_vreg.gather [hbm4b:s1+s3], $0x80, v3, vm0, $0xb8;
	[tilespmem:$0x10100] =	vst v63  }
0x9e: {  	v3 =	vld [tilespmem:$0xD0];
	_ =	sdelay $0x4  }
0x9f: {  	v45 =	vshll.u32 v3, $0x1  }
0xa0: {  	v3 =	vand.u32 $0x7, v3;
	v4 =	vand.u32 $0xFFFFFFF0, v45  }
0xa1: {  	v3 =	vor.u32 v3, v4  }
0xa2: {  	v4 =	vperm.xlane v3, v0;
	_ =	sdelay $0x1  }
0xa3: {  	v3 =	vperm.xlane v3, v2;
	v4 =	vadd.s32 v1, v4;
	_ =	sdelay $0x1  }
0xa4: {  	v3 =	vadd.s32 v1, v3;
	_ =	sdelay $0x1  }
0xa5: {  	s13 =	simm.s32 $0xD100  }
0xa6: {  	[tilespmem:s13], [sflag:$0x1] =	stream.indirect_vreg.gather [hbm4b:s1+s3], $0x80, v4, vm0, $0xb8;
	[tilespmem:$0x10100] =	vst v63  }
0xa7: {  	s13 =	simm.s32 $0xD900  }
0xa8: {  	[tilespmem:s13], [sflag:$0x1] =	stream.indirect_vreg.gather [hbm4b:s1+s3], $0x80, v3, vm0, $0xb8;
	[tilespmem:$0x10100] =	vst v63  }
0xa9: {  	v3 =	vld [tilespmem:$0xE0];
	_ =	sdelay $0x4  }
0xaa: {  	v46 =	vshll.u32 v3, $0x1  }
0xab: {  	v3 =	vand.u32 $0x7, v3;
	v4 =	vand.u32 $0xFFFFFFF0, v46  }
0xac: {  	v3 =	vor.u32 v3, v4  }
0xad: {  	v4 =	vperm.xlane v3, v0;
	_ =	sdelay $0x1  }
0xae: {  	v3 =	vperm.xlane v3, v2;
	v4 =	vadd.s32 v1, v4;
	_ =	sdelay $0x1  }
0xaf: {  	v3 =	vadd.s32 v1, v3;
	_ =	sdelay $0x1  }
0xb0: {  	s13 =	simm.s32 $0xE100  }
0xb1: {  	[tilespmem:s13], [sflag:$0x1] =	stream.indirect_vreg.gather [hbm4b:s1+s3], $0x80, v4, vm0, $0xb8;
	[tilespmem:$0x10100] =	vst v63  }
0xb2: {  	s13 =	simm.s32 $0xE900  }
0xb3: {  	[tilespmem:s13], [sflag:$0x1] =	stream.indirect_vreg.gather [hbm4b:s1+s3], $0x80, v3, vm0, $0xb8;
	[tilespmem:$0x10100] =	vst v63  }
0xb4: {  	v3 =	vld [tilespmem:$0xF0];
	_ =	sdelay $0x4  }
0xb5: {  	v47 =	vshll.u32 v3, $0x1  }
0xb6: {  	v3 =	vand.u32 $0x7, v3;
	v4 =	vand.u32 $0xFFFFFFF0, v47  }
0xb7: {  	v3 =	vor.u32 v3, v4  }
0xb8: {  	v4 =	vperm.xlane v3, v0;
	_ =	sdelay $0x1  }
0xb9: {  	v3 =	vperm.xlane v3, v2;
	v4 =	vadd.s32 v1, v4;
	_ =	sdelay $0x1  }
0xba: {  	v3 =	vadd.s32 v1, v3;
	_ =	sdelay $0x1  }
0xbb: {  	s13 =	simm.s32 $0xF100  }
0xbc: {  	[tilespmem:s13], [sflag:$0x1] =	stream.indirect_vreg.gather [hbm4b:s1+s3], $0x80, v4, vm0, $0xb8;
	[tilespmem:$0x10100] =	vst v63  }
0xbd: {  	s13 =	simm.s32 $0xF900  }
0xbe: {  	[tilespmem:s13], [sflag:$0x1] =	stream.indirect_vreg.gather [hbm4b:s1+s3], $0x80, v3, vm0, $0xb8;
	[tilespmem:$0x10100] =	vst v63  }
0xbf: {  	_ =	swait.ge [sflag:s12], $0x10000  }
0xc0: {  	[sflag:s12] =	ssyncset.done $0x0  }
0xc1: {  	s0 =	simm.s32 $0x100;
	s13 =	rddreg [dreg:$0x5];
	[sflag:s12] =	ssyncadd.s32 $0xFFFF0000  }
0xc2: {  	[hbm4b:s13+s3] =	stream.linear.scatter [tilespmem:s0], [sflag:$0x2], $0x10000, $0x38;
	[tilespmem:$0x10100] =	vst v63  }
0xc3: {  	_ =	swait.ge [sflag:s5], $0x10000  }
0xc4: {  	[sflag:s5] =	ssyncset.done $0x0  }
0xc5: {  	s13 =	rddreg [dreg:$0x6];
	[sflag:s5] =	ssyncadd.s32 $0xFFFF0000  }
0xc6: {  	[tilespmem:s3], [sflag:$0x2] =	stream.linear.gather [hbm4b:s13+s3], $0x100, $0x38;
	[tilespmem:$0x10100] =	vst v63  }
0xc7: {  	_ =	swait.ge [sflag:s5], $0x100  }
0xc8: {  	[sflag:s5] =	ssyncset.done $0x0  }
0xc9: {  	[sflag:s5] =	ssyncadd.s32 $0xFFFFFF00  }
0xca: {  	v3 =	vld [tilespmem:$0x0];
	_ =	sdelay $0x4  }
0xcb: {  	v48 =	vshll.u32 v3, $0x1  }
0xcc: {  	v3 =	vand.u32 $0x7, v3;
	v4 =	vand.u32 $0xFFFFFFF0, v48  }
0xcd: {  	v3 =	vor.u32 v3, v4  }
0xce: {  	v4 =	vperm.xlane v3, v0;
	_ =	sdelay $0x1  }
0xcf: {  	v3 =	vperm.xlane v3, v2;
	v4 =	vadd.s32 v1, v4;
	_ =	sdelay $0x1  }
0xd0: {  	v3 =	vadd.s32 v1, v3;
	_ =	sdelay $0x2  }
0xd1: {  	[tilespmem:s0], [sflag:$0x1] =	stream.indirect_vreg.gather [hbm4b:s1+s3], $0x80, v4, vm0, $0xb8;
	[tilespmem:$0x10100] =	vst v63  }
0xd2: {  	_ = 	snop  }
0xd3: {  	[tilespmem:s14], [sflag:$0x1] =	stream.indirect_vreg.gather [hbm4b:s1+s3], $0x80, v3, vm0, $0xb8;
	[tilespmem:$0x10100] =	vst v63  }
0xd4: {  	v3 =	vld [tilespmem:$0x10];
	_ =	sdelay $0x4  }
0xd5: {  	v49 =	vshll.u32 v3, $0x1  }
0xd6: {  	v3 =	vand.u32 $0x7, v3;
	v4 =	vand.u32 $0xFFFFFFF0, v49  }
0xd7: {  	v3 =	vor.u32 v3, v4  }
0xd8: {  	v4 =	vperm.xlane v3, v0;
	_ =	sdelay $0x1  }
0xd9: {  	v3 =	vperm.xlane v3, v2;
	v4 =	vadd.s32 v1, v4;
	_ =	sdelay $0x1  }
0xda: {  	v3 =	vadd.s32 v1, v3;
	_ =	sdelay $0x2  }
0xdb: {  	[tilespmem:s15], [sflag:$0x1] =	stream.indirect_vreg.gather [hbm4b:s1+s3], $0x80, v4, vm0, $0xb8;
	[tilespmem:$0x10100] =	vst v63  }
0xdc: {  	_ = 	snop  }
0xdd: {  	[tilespmem:s16], [sflag:$0x1] =	stream.indirect_vreg.gather [hbm4b:s1+s3], $0x80, v3, vm0, $0xb8;
	[tilespmem:$0x10100] =	vst v63  }
0xde: {  	v3 =	vld [tilespmem:$0x20];
	_ =	sdelay $0x4  }
0xdf: {  	v50 =	vshll.u32 v3, $0x1  }
0xe0: {  	v3 =	vand.u32 $0x7, v3;
	v4 =	vand.u32 $0xFFFFFFF0, v50  }
0xe1: {  	v3 =	vor.u32 v3, v4  }
0xe2: {  	v4 =	vperm.xlane v3, v0;
	_ =	sdelay $0x1  }
0xe3: {  	v3 =	vperm.xlane v3, v2;
	v4 =	vadd.s32 v1, v4;
	_ =	sdelay $0x1  }
0xe4: {  	v3 =	vadd.s32 v1, v3;
	_ =	sdelay $0x2  }
0xe5: {  	[tilespmem:s17], [sflag:$0x1] =	stream.indirect_vreg.gather [hbm4b:s1+s3], $0x80, v4, vm0, $0xb8;
	[tilespmem:$0x10100] =	vst v63  }
0xe6: {  	_ = 	snop  }
0xe7: {  	[tilespmem:s18], [sflag:$0x1] =	stream.indirect_vreg.gather [hbm4b:s1+s3], $0x80, v3, vm0, $0xb8;
	[tilespmem:$0x10100] =	vst v63  }
0xe8: {  	v3 =	vld [tilespmem:$0x30];
	_ =	sdelay $0x4  }
0xe9: {  	v51 =	vshll.u32 v3, $0x1  }
0xea: {  	v3 =	vand.u32 $0x7, v3;
	v4 =	vand.u32 $0xFFFFFFF0, v51  }
0xeb: {  	v3 =	vor.u32 v3, v4  }
0xec: {  	v4 =	vperm.xlane v3, v0;
	_ =	sdelay $0x1  }
0xed: {  	v3 =	vperm.xlane v3, v2;
	v4 =	vadd.s32 v1, v4;
	_ =	sdelay $0x1  }
0xee: {  	v3 =	vadd.s32 v1, v3;
	_ =	sdelay $0x2  }
0xef: {  	[tilespmem:s19], [sflag:$0x1] =	stream.indirect_vreg.gather [hbm4b:s1+s3], $0x80, v4, vm0, $0xb8;
	[tilespmem:$0x10100] =	vst v63  }
0xf0: {  	_ = 	snop  }
0xf1: {  	[tilespmem:s20], [sflag:$0x1] =	stream.indirect_vreg.gather [hbm4b:s1+s3], $0x80, v3, vm0, $0xb8;
	[tilespmem:$0x10100] =	vst v63  }
0xf2: {  	v3 =	vld [tilespmem:$0x40];
	_ =	sdelay $0x4  }
0xf3: {  	v52 =	vshll.u32 v3, $0x1  }
0xf4: {  	v3 =	vand.u32 $0x7, v3;
	v4 =	vand.u32 $0xFFFFFFF0, v52  }
0xf5: {  	v3 =	vor.u32 v3, v4  }
0xf6: {  	v4 =	vperm.xlane v3, v0;
	_ =	sdelay $0x1  }
0xf7: {  	v3 =	vperm.xlane v3, v2;
	v4 =	vadd.s32 v1, v4;
	_ =	sdelay $0x1  }
0xf8: {  	v3 =	vadd.s32 v1, v3;
	_ =	sdelay $0x2  }
0xf9: {  	[tilespmem:s21], [sflag:$0x1] =	stream.indirect_vreg.gather [hbm4b:s1+s3], $0x80, v4, vm0, $0xb8;
	[tilespmem:$0x10100] =	vst v63  }
0xfa: {  	_ = 	snop  }
0xfb: {  	[tilespmem:s22], [sflag:$0x1] =	stream.indirect_vreg.gather [hbm4b:s1+s3], $0x80, v3, vm0, $0xb8;
	[tilespmem:$0x10100] =	vst v63  }
0xfc: {  	v3 =	vld [tilespmem:$0x50];
	_ =	sdelay $0x4  }
0xfd: {  	v53 =	vshll.u32 v3, $0x1  }
0xfe: {  	v3 =	vand.u32 $0x7, v3;
	v4 =	vand.u32 $0xFFFFFFF0, v53  }
0xff: {  	v3 =	vor.u32 v3, v4  }
0x100: {  	v4 =	vperm.xlane v3, v0;
	_ =	sdelay $0x1  }
0x101: {  	v3 =	vperm.xlane v3, v2;
	v4 =	vadd.s32 v1, v4;
	_ =	sdelay $0x1  }
0x102: {  	v3 =	vadd.s32 v1, v3;
	_ =	sdelay $0x2  }
0x103: {  	[tilespmem:s23], [sflag:$0x1] =	stream.indirect_vreg.gather [hbm4b:s1+s3], $0x80, v4, vm0, $0xb8;
	[tilespmem:$0x10100] =	vst v63  }
0x104: {  	_ = 	snop  }
0x105: {  	[tilespmem:s24], [sflag:$0x1] =	stream.indirect_vreg.gather [hbm4b:s1+s3], $0x80, v3, vm0, $0xb8;
	[tilespmem:$0x10100] =	vst v63  }
0x106: {  	v3 =	vld [tilespmem:$0x60];
	_ =	sdelay $0x4  }
0x107: {  	v54 =	vshll.u32 v3, $0x1  }
0x108: {  	v3 =	vand.u32 $0x7, v3;
	v4 =	vand.u32 $0xFFFFFFF0, v54  }
0x109: {  	v3 =	vor.u32 v3, v4  }
0x10a: {  	v4 =	vperm.xlane v3, v0;
	_ =	sdelay $0x1  }
0x10b: {  	v3 =	vperm.xlane v3, v2;
	v4 =	vadd.s32 v1, v4;
	_ =	sdelay $0x1  }
0x10c: {  	v3 =	vadd.s32 v1, v3;
	_ =	sdelay $0x2  }
0x10d: {  	[tilespmem:s25], [sflag:$0x1] =	stream.indirect_vreg.gather [hbm4b:s1+s3], $0x80, v4, vm0, $0xb8;
	[tilespmem:$0x10100] =	vst v63  }
0x10e: {  	_ = 	snop  }
0x10f: {  	[tilespmem:s26], [sflag:$0x1] =	stream.indirect_vreg.gather [hbm4b:s1+s3], $0x80, v3, vm0, $0xb8;
	[tilespmem:$0x10100] =	vst v63  }
0x110: {  	v3 =	vld [tilespmem:$0x70];
	_ =	sdelay $0x4  }
0x111: {  	v55 =	vshll.u32 v3, $0x1  }
0x112: {  	v3 =	vand.u32 $0x7, v3;
	v4 =	vand.u32 $0xFFFFFFF0, v55  }
0x113: {  	v3 =	vor.u32 v3, v4  }
0x114: {  	v4 =	vperm.xlane v3, v0;
	_ =	sdelay $0x1  }
0x115: {  	v3 =	vperm.xlane v3, v2;
	v4 =	vadd.s32 v1, v4;
	_ =	sdelay $0x1  }
0x116: {  	v3 =	vadd.s32 v1, v3;
	_ =	sdelay $0x2  }
0x117: {  	[tilespmem:s28], [sflag:$0x1] =	stream.indirect_vreg.gather [hbm4b:s1+s3], $0x80, v4, vm0, $0xb8;
	[tilespmem:$0x10100] =	vst v63  }
0x118: {  	_ = 	snop  }
0x119: {  	[tilespmem:s29], [sflag:$0x1] =	stream.indirect_vreg.gather [hbm4b:s1+s3], $0x80, v3, vm0, $0xb8;
	[tilespmem:$0x10100] =	vst v63  }
0x11a: {  	v3 =	vld [tilespmem:$0x80];
	_ =	sdelay $0x4  }
0x11b: {  	v56 =	vshll.u32 v3, $0x1  }
0x11c: {  	v3 =	vand.u32 $0x7, v3;
	v4 =	vand.u32 $0xFFFFFFF0, v56  }
0x11d: {  	v3 =	vor.u32 v3, v4  }
0x11e: {  	v4 =	vperm.xlane v3, v0;
	_ =	sdelay $0x1  }
0x11f: {  	v3 =	vperm.xlane v3, v2;
	v4 =	vadd.s32 v1, v4;
	_ =	sdelay $0x1  }
0x120: {  	v3 =	vadd.s32 v1, v3;
	_ =	sdelay $0x2  }
0x121: {  	[tilespmem:s30], [sflag:$0x1] =	stream.indirect_vreg.gather [hbm4b:s1+s3], $0x80, v4, vm0, $0xb8;
	[tilespmem:$0x10100] =	vst v63  }
0x122: {  	_ = 	snop  }
0x123: {  	[tilespmem:s31], [sflag:$0x1] =	stream.indirect_vreg.gather [hbm4b:s1+s3], $0x80, v3, vm0, $0xb8;
	[tilespmem:$0x10100] =	vst v63  }
0x124: {  	v3 =	vld [tilespmem:$0x90];
	_ =	sdelay $0x4  }
0x125: {  	v57 =	vshll.u32 v3, $0x1  }
0x126: {  	v3 =	vand.u32 $0x7, v3;
	v4 =	vand.u32 $0xFFFFFFF0, v57  }
0x127: {  	v3 =	vor.u32 v3, v4  }
0x128: {  	v4 =	vperm.xlane v3, v0;
	_ =	sdelay $0x1  }
0x129: {  	v3 =	vperm.xlane v3, v2;
	v4 =	vadd.s32 v1, v4;
	_ =	sdelay $0x1  }
0x12a: {  	v3 =	vadd.s32 v1, v3;
	_ =	sdelay $0x1  }
0x12b: {  	s13 =	simm.s32 $0x9100  }
0x12c: {  	[tilespmem:s13], [sflag:$0x1] =	stream.indirect_vreg.gather [hbm4b:s1+s3], $0x80, v4, vm0, $0xb8;
	[tilespmem:$0x10100] =	vst v63  }
0x12d: {  	_ = 	snop  }
0x12e: {  	[tilespmem:s2], [sflag:$0x1] =	stream.indirect_vreg.gather [hbm4b:s1+s3], $0x80, v3, vm0, $0xb8;
	[tilespmem:$0x10100] =	vst v63  }
0x12f: {  	v3 =	vld [tilespmem:$0xA0];
	_ =	sdelay $0x4  }
0x130: {  	v58 =	vshll.u32 v3, $0x1  }
0x131: {  	v3 =	vand.u32 $0x7, v3;
	v4 =	vand.u32 $0xFFFFFFF0, v58  }
0x132: {  	v3 =	vor.u32 v3, v4  }
0x133: {  	v4 =	vperm.xlane v3, v0;
	_ =	sdelay $0x1  }
0x134: {  	v3 =	vperm.xlane v3, v2;
	v4 =	vadd.s32 v1, v4;
	_ =	sdelay $0x1  }
0x135: {  	v3 =	vadd.s32 v1, v3;
	_ =	sdelay $0x2  }
0x136: {  	[tilespmem:s7], [sflag:$0x1] =	stream.indirect_vreg.gather [hbm4b:s1+s3], $0x80, v4, vm0, $0xb8;
	[tilespmem:$0x10100] =	vst v63  }
0x137: {  	_ = 	snop  }
0x138: {  	[tilespmem:s8], [sflag:$0x1] =	stream.indirect_vreg.gather [hbm4b:s1+s3], $0x80, v3, vm0, $0xb8;
	[tilespmem:$0x10100] =	vst v63  }
0x139: {  	v3 =	vld [tilespmem:$0xB0];
	_ =	sdelay $0x4  }
0x13a: {  	v59 =	vshll.u32 v3, $0x1  }
0x13b: {  	v3 =	vand.u32 $0x7, v3;
	v4 =	vand.u32 $0xFFFFFFF0, v59  }
0x13c: {  	v3 =	vor.u32 v3, v4  }
0x13d: {  	v4 =	vperm.xlane v3, v0;
	_ =	sdelay $0x1  }
0x13e: {  	v3 =	vperm.xlane v3, v2;
	v4 =	vadd.s32 v1, v4;
	_ =	sdelay $0x1  }
0x13f: {  	v3 =	vadd.s32 v1, v3;
	_ =	sdelay $0x2  }
0x140: {  	[tilespmem:s9], [sflag:$0x1] =	stream.indirect_vreg.gather [hbm4b:s1+s3], $0x80, v4, vm0, $0xb8;
	[tilespmem:$0x10100] =	vst v63  }
0x141: {  	_ = 	snop  }
0x142: {  	[tilespmem:s10], [sflag:$0x1] =	stream.indirect_vreg.gather [hbm4b:s1+s3], $0x80, v3, vm0, $0xb8;
	[tilespmem:$0x10100] =	vst v63  }
0x143: {  	v3 =	vld [tilespmem:$0xC0];
	_ =	sdelay $0x4  }
0x144: {  	v60 =	vshll.u32 v3, $0x1  }
0x145: {  	v3 =	vand.u32 $0x7, v3;
	v4 =	vand.u32 $0xFFFFFFF0, v60  }
0x146: {  	v3 =	vor.u32 v3, v4  }
0x147: {  	v4 =	vperm.xlane v3, v0;
	_ =	sdelay $0x1  }
0x148: {  	v3 =	vperm.xlane v3, v2;
	v4 =	vadd.s32 v1, v4;
	_ =	sdelay $0x1  }
0x149: {  	v3 =	vadd.s32 v1, v3;
	_ =	sdelay $0x2  }
0x14a: {  	[tilespmem:s11], [sflag:$0x1] =	stream.indirect_vreg.gather [hbm4b:s1+s3], $0x80, v4, vm0, $0xb8;
	[tilespmem:$0x10100] =	vst v63  }
0x14b: {  	_ = 	snop  }
0x14c: {  	[tilespmem:s6], [sflag:$0x1] =	stream.indirect_vreg.gather [hbm4b:s1+s3], $0x80, v3, vm0, $0xb8;
	[tilespmem:$0x10100] =	vst v63  }
0x14d: {  	v3 =	vld [tilespmem:$0xD0];
	_ =	sdelay $0x4  }
0x14e: {  	v61 =	vshll.u32 v3, $0x1  }
0x14f: {  	v3 =	vand.u32 $0x7, v3;
	v4 =	vand.u32 $0xFFFFFFF0, v61  }
0x150: {  	v3 =	vor.u32 v3, v4  }
0x151: {  	v4 =	vperm.xlane v3, v0;
	_ =	sdelay $0x1  }
0x152: {  	v3 =	vperm.xlane v3, v2;
	v4 =	vadd.s32 v1, v4;
	_ =	sdelay $0x1  }
0x153: {  	v3 =	vadd.s32 v1, v3;
	_ =	sdelay $0x1  }
0x154: {  	s13 =	simm.s32 $0xD100  }
0x155: {  	[tilespmem:s13], [sflag:$0x1] =	stream.indirect_vreg.gather [hbm4b:s1+s3], $0x80, v4, vm0, $0xb8;
	[tilespmem:$0x10100] =	vst v63  }
0x156: {  	s13 =	simm.s32 $0xD900  }
0x157: {  	[tilespmem:s13], [sflag:$0x1] =	stream.indirect_vreg.gather [hbm4b:s1+s3], $0x80, v3, vm0, $0xb8;
	[tilespmem:$0x10100] =	vst v63  }
0x158: {  	v3 =	vld [tilespmem:$0xE0];
	_ =	sdelay $0x4  }
0x159: {  	v62 =	vshll.u32 v3, $0x1  }
0x15a: {  	v3 =	vand.u32 $0x7, v3;
	v4 =	vand.u32 $0xFFFFFFF0, v62  }
0x15b: {  	v3 =	vor.u32 v3, v4  }
0x15c: {  	v4 =	vperm.xlane v3, v0;
	_ =	sdelay $0x1  }
0x15d: {  	v3 =	vperm.xlane v3, v2;
	v4 =	vadd.s32 v1, v4;
	_ =	sdelay $0x1  }
0x15e: {  	v3 =	vadd.s32 v1, v3;
	_ =	sdelay $0x1  }
0x15f: {  	s13 =	simm.s32 $0xE100  }
0x160: {  	[tilespmem:s13], [sflag:$0x1] =	stream.indirect_vreg.gather [hbm4b:s1+s3], $0x80, v4, vm0, $0xb8;
	[tilespmem:$0x10100] =	vst v63  }
0x161: {  	s13 =	simm.s32 $0xE900  }
0x162: {  	[tilespmem:s13], [sflag:$0x1] =	stream.indirect_vreg.gather [hbm4b:s1+s3], $0x80, v3, vm0, $0xb8;
	[tilespmem:$0x10100] =	vst v63  }
0x163: {  	v3 =	vld [tilespmem:$0xF0];
	_ =	sdelay $0x4  }
0x164: {  	v63 =	vshll.u32 v3, $0x1  }
0x165: {  	v3 =	vand.u32 $0x7, v3;
	v4 =	vand.u32 $0xFFFFFFF0, v63  }
0x166: {  	v3 =	vor.u32 v3, v4  }
0x167: {  	v4 =	vperm.xlane v3, v0;
	_ =	sdelay $0x1  }
0x168: {  	v3 =	vperm.xlane v3, v2;
	v4 =	vadd.s32 v1, v4;
	_ =	sdelay $0x1  }
0x169: {  	v3 =	vadd.s32 v1, v3;
	_ =	sdelay $0x1  }
0x16a: {  	s13 =	simm.s32 $0xF100  }
0x16b: {  	[tilespmem:s13], [sflag:$0x1] =	stream.indirect_vreg.gather [hbm4b:s1+s3], $0x80, v4, vm0, $0xb8;
	[tilespmem:$0x10100] =	vst v63  }
0x16c: {  	s13 =	simm.s32 $0xF900  }
0x16d: {  	[tilespmem:s13], [sflag:$0x1] =	stream.indirect_vreg.gather [hbm4b:s1+s3], $0x80, v3, vm0, $0xb8;
	[tilespmem:$0x10100] =	vst v63  }
0x16e: {  	_ =	swait.ge [sflag:s12], $0x10000  }
0x16f: {  	p0 =	sne.s32 s4, $0x1;
	s0 =	simm.s32 $0x100;
	[sflag:s12] =	ssyncset.done $0x0  }
.Ltmp0:
0x170: {  	s13 =	rddreg [dreg:$0x7];
	[sflag:s12] =	ssyncadd.s32 $0xFFFF0000;
	(pc) =	sbr.rel @p0 .LBB2_1-.Ltmp0, $4  }
0x171: {  	[hbm4b:s13+s3] =	stream.linear.scatter [tilespmem:s0], [sflag:$0x2], $0x10000, $0x38;
	[tilespmem:$0x10100] =	vst v63  }
0x172: {  	_ =	swait.ge [sflag:s5], $0x10000  }
0x173: {  	[sflag:s5] =	ssyncset.done $0x0  }
0x174: {  	s4 =	sadd.s32 $0xFFFFFFFF, s4;
	[sflag:s5] =	ssyncadd.s32 $0xFFFF0000  }
0x175: {  	_ =	sfence.sel $0x180000  }
0x176: {  	[bflag:$0x0] =	sbarrier.arrive $0xFFFF  }
0x177: {  	_ =	strace $0x90000047  }
0x178: {  	s0 =	stileid.u32;
	[bflag:$0x2] =	sbarrier.arrive $0xFFFF  }
0x179: {  	p0 =	sne.s32 s0, $0x0;
	s0 =	rddreg [dreg:$0x3]  }
0x17a: {  	s0 =	sadd.s32 @!p0 $0x100000, s0  }
0x17b: {  	[sflag:s0] =	ssyncadd.tile.s32 @!p0 $0x1;
	_ =	shalt  }
.Lfunc_end2:
_tile_overlayer_lowered:
.L_overlay_start_2:
0x17c: {  	(tag) =	ssettag $0x2  }
0x17d: {  	s0 =	rddreg [dreg:$0x0];
	s2 =	stileid.u32  }
0x17e: {  	s1 =	rddreg [dreg:$0x1];
	p0 =	sne.s32 s2, $0x0  }
0x17f: {  	s3 =	rddreg [dreg:$0x2];
	[bflag:$0x3] =	sbarrier.arrive $0xFFFF;
	s2 =	simm.s32 @!p0 $0x1C02  }
0x180: {  	[timem:s3], [sflag:s2] =	dma.local @!p0 [hbm:s0], s1  }
0x181: {  	s0 =	simm.s32 @!p0 $0x2  }
0x182: {  	_ =	swait.ge @!p0 [sflag:s0], s1  }
0x183: {  	s1 =	ssub.s32 @!p0 $0x0, s1;
	[sflag:s0] =	ssyncset.done @!p0 $0x0  }
0x184: {  	[sflag:s0] =	ssyncadd.s32 @!p0 s1  }
0x185: {  	[bflag:$0x3] =	sbarrier.arrive $0xFFFF  }
0x186: {  	_ =	shalt  }

</sc_bundles>
